<compile_context>
chip_gen: v7x
topology: tpu7x:2x2x1
jax: 0.10.2.dev20260603
libtpu: 0.0.44.dev20260713+nightly
codegen_flags: <defaults>
</compile_context>

<pallas_src>
import functools

import jax
import jax.numpy as jnp
from jax import lax
from jax.experimental import pallas as pl
from jax.experimental.pallas import tpu as pltpu
from jax.experimental.pallas import tpu_sc as plsc

_SIDE = 4096
_N = _SIDE * _SIDE
_K = int(_N * 0.1)
_NC, _NS, _L = 2, 16, 16
_NW = _NC * _NS
_ROWS_W = _SIDE // _NW
_CROWS = 4
_NCHUNK = _ROWS_W // _CROWS
_BINS = 65536


def _total_order_key(u):
    return u ^ lax.shift_right_logical(lax.shift_right_arithmetic(u, 31), 1)


def _sc_stream_shard(k_hbm, bufs, sems, per_vec):
    wid = lax.axis_index("s") * _NC + lax.axis_index("c")
    row0 = wid * _ROWS_W
    kbuf0, kbuf1 = bufs
    sem0, sem1 = sems

    def start(c, kb, sm):
        pltpu.async_copy(k_hbm.at[pl.ds(row0 + c * _CROWS, _CROWS)], kb, sm)

    def wait(kb, sm):
        pltpu.make_async_copy(k_hbm.at[pl.ds(0, _CROWS)], kb, sm).wait()

    def process(kb):
        for j in range(_CROWS):
            @plsc.parallel_loop(0, _SIDE, _L, unroll=16)
            def _(off):
                per_vec(kb[j, pl.ds(off, _L)])

    start(0, kbuf0, sem0)

    def chunk2(c2, _):
        c0 = c2 * 2
        start(c0 + 1, kbuf1, sem1)
        wait(kbuf0, sem0)
        process(kbuf0)

        @pl.when(c0 + 2 < _NCHUNK)
        def _():
            start(c0 + 2, kbuf0, sem0)

        wait(kbuf1, sem1)
        process(kbuf1)
        return 0

    lax.fori_loop(0, _NCHUNK // 2, chunk2, 0)
    return wid


def _zero_hist(hist_v):
    zero16 = jnp.zeros((_L,), jnp.int32)

    @plsc.parallel_loop(0, _BINS, _L, unroll=8)
    def _(i):
        hist_v[pl.ds(i, _L)] = zero16


_SC_SCRATCH = [
    pltpu.VMEM((_CROWS, _SIDE), jnp.int32),
    pltpu.VMEM((_CROWS, _SIDE), jnp.int32),
    pltpu.VMEM((_BINS,), jnp.int32),
    pltpu.SemaphoreType.DMA,
    pltpu.SemaphoreType.DMA,
]
_SC_MESH = plsc.VectorSubcoreMesh(
    core_axis_name="c", subcore_axis_name="s", num_cores=_NC,
    num_subcores=_NS)


def _sc_hist1_body(k_hbm, hist_hbm, kbuf0, kbuf1, hist_v, sem0, sem1):
    _zero_hist(hist_v)
    ones = jnp.ones((_L,), jnp.int32)

    def per_vec(skey):
        plsc.addupdate_scatter(
            hist_v, [lax.shift_right_logical(skey, 16)], ones)

    wid = _sc_stream_shard(k_hbm, (kbuf0, kbuf1), (sem0, sem1), per_vec)
    pltpu.sync_copy(hist_v, hist_hbm.at[wid])


def _sc_hist2_body(cfg_hbm, k_hbm, hist_hbm, cfg_v, kbuf0, kbuf1, hist_v,
                   sem0, sem1):
    _zero_hist(hist_v)
    pltpu.sync_copy(cfg_hbm, cfg_v)
    bv = cfg_v[pl.ds(0, _L)]
    ones = jnp.ones((_L,), jnp.int32)

    def per_vec(skey):
        high = lax.shift_right_arithmetic(skey, 16)
        low = skey & 0xFFFF
        plsc.addupdate_scatter(hist_v, [low], ones, mask=high == bv)

    wid = _sc_stream_shard(k_hbm, (kbuf0, kbuf1), (sem0, sem1), per_vec)
    pltpu.sync_copy(hist_v, hist_hbm.at[wid])


_sc_hist1 = functools.partial(
    pl.kernel,
    out_type=jax.ShapeDtypeStruct((_NW, _BINS), jnp.int32),
    mesh=_SC_MESH,
    scratch_types=_SC_SCRATCH,
    compiler_params=pltpu.CompilerParams(needs_layout_passes=False),
)(_sc_hist1_body)

_sc_hist2 = functools.partial(
    pl.kernel,
    out_type=jax.ShapeDtypeStruct((_NW, _BINS), jnp.int32),
    mesh=_SC_MESH,
    scratch_types=[pltpu.VMEM((_L,), jnp.int32)] + _SC_SCRATCH,
    compiler_params=pltpu.CompilerParams(needs_layout_passes=False),
)(_sc_hist2_body)


def _tc_key_body(f_ref, r_ref, k_ref):
    d = f_ref[...] - r_ref[...]
    k_ref[...] = _total_order_key(lax.bitcast_convert_type(d, jnp.int32))


_ROWS_PER_BLK = 256
_tc_key = pl.pallas_call(
    _tc_key_body,
    grid=(_SIDE // _ROWS_PER_BLK,),
    in_specs=[pl.BlockSpec((_ROWS_PER_BLK, _SIDE), lambda i: (i, 0))] * 2,
    out_specs=pl.BlockSpec((_ROWS_PER_BLK, _SIDE), lambda i: (i, 0)),
    out_shape=jax.ShapeDtypeStruct((_SIDE, _SIDE), jnp.int32),
)


def _tc_mask_body(thr_ref, k_ref, w_ref, o_ref):
    o_ref[...] = jnp.where(k_ref[...] >= thr_ref[0], jnp.float32(0.0),
                           w_ref[...])


_tc_mask = pl.pallas_call(
    _tc_mask_body,
    grid_spec=pltpu.PrefetchScalarGridSpec(
        num_scalar_prefetch=1,
        grid=(_SIDE // _ROWS_PER_BLK,),
        in_specs=[pl.BlockSpec((_ROWS_PER_BLK, _SIDE), lambda i, s: (i, 0))] * 2,
        out_specs=pl.BlockSpec((_ROWS_PER_BLK, _SIDE), lambda i, s: (i, 0)),
    ),
    out_shape=jax.ShapeDtypeStruct((_SIDE, _SIDE), jnp.float32),
)


def _suffix_rank(hist, rank):
    csum = jnp.cumsum(hist[::-1])
    below = csum < rank
    i = jnp.sum(below, dtype=jnp.int32)
    b = jnp.int32(_BINS - 1) - i
    above = jnp.max(jnp.where(below, csum, 0))
    return b, above


def kernel(forget_hess, retain_hess, weights):
    skey = _tc_key(forget_hess, retain_hess)

    h1 = jnp.roll(_sc_hist1(skey).sum(axis=0), _BINS // 2)
    b, above1 = _suffix_rank(h1, _K)
    k2 = _K - above1

    cfg2 = jnp.full((_L,), b - jnp.int32(32768), jnp.int32)
    h2 = _sc_hist2(cfg2, skey).sum(axis=0)
    lt, _ = _suffix_rank(h2, k2)

    thr = (b - jnp.int32(32768)) * jnp.int32(65536) + lt
    thr_arr = jnp.full((1,), thr, jnp.int32)
    return _tc_mask(thr_arr, skey, weights)

# --- scband reference (transcript-rebuilt; emitter-appended) ---
"""Pipeline reference for scband-unlearner-fm-84473416778426 (READ-ONLY COPY).

The authoritative reference and input builder live on the scoring server;
editing this copy changes nothing except your own understanding.
"""

import jax, jax.numpy as jnp
import numpy as np

REMOVAL_RATIO = 0.1

def setup_inputs(seed: int = 0) -> dict:
    key = jax.random.key(seed)
    k1, k2, k3 = jax.random.split(key, 3)
    forget_hess = jax.random.normal(k1, (4096, 4096), dtype=jnp.float32)
    retain_hess = jax.random.normal(k2, (4096, 4096), dtype=jnp.float32)
    weights = jax.random.normal(k3, (4096, 4096), dtype=jnp.float32)
    return {"forget_hess": forget_hess, "retain_hess": retain_hess, "weights": weights}

def reference(forget_hess, retain_hess, weights):
    # Faithful core of Unlearner_FM.Fisher_Masking for a Linear layer:
    # fisher_diff = forget_fisher - retain_fisher, flattened over (out, in);
    # the top removal-fraction entries by fisher_diff are selected (argsort
    # tail in the original, i.e. largest values) and the corresponding
    # weight entries are zeroed (masked) in the state dict.
    fisher_diff = (forget_hess - retain_hess).reshape(-1)
    n = fisher_diff.shape[0]
    k = int(n * REMOVAL_RATIO)
    # original: mask_index = argsort(Count)[-k:]  -> indices of the k largest
    _, mask_index = jax.lax.top_k(fisher_diff, k)
    flat_w = weights.reshape(-1)
    # scatter-overwrite: state_dict[k][row, col] = 0.0 at masked positions
    masked_flat = flat_w.at[mask_index].set(0.0)
    new_weights = masked_flat.reshape(weights.shape)
    return new_weights

if __name__ == "__main__":
    import jax
    _d = setup_inputs()
    print(jax.jit(kernel)(*tuple(_d.values())))

</pallas_src>

<mosaic_0001>
#map = affine_map<(d0, d1) -> (0, 0)>
module attributes {stable_mosaic.version = 14 : i64} {
  func.func @_sc_hist1_body(%arg0: i32, %arg1: i32, %arg2: memref<4096x4096xi32, #tpu.memory_space<hbm>>, %arg3: memref<32x65536xi32, #tpu.memory_space<hbm>>, %arg4: memref<4x4096xi32, #tpu.memory_space<vmem>>, %arg5: memref<4x4096xi32, #tpu.memory_space<vmem>>, %arg6: memref<65536xi32, #tpu.memory_space<vmem>>, %arg7: memref<!tpu.dma_semaphore, #tpu.memory_space<semaphore_mem>>, %arg8: memref<!tpu.dma_semaphore, #tpu.memory_space<semaphore_mem>>) attributes {dimension_semantics = [#tpu.dimension_semantics<core_parallel>, #tpu.dimension_semantics<subcore_parallel>], iteration_bounds = array<i64: 2, 16>, scalar_prefetch = 0 : i64, scratch_operands = 5 : i64, tpu.core_type = #tpu.core_type<sc_vector_subcore>, window_params = [{transform_indices = #map}, {transform_indices = #map}]} {
    %broadcast_in_dim3A = arith.constant 0 : i32
    %broadcast_in_dim3A_0 = vector.broadcast %broadcast_in_dim3A : i32 to vector<16xi32>
    %parallel_loop3A = arith.constant 0 : i32
    %parallel_loop3A_1 = arith.constant 65536 : i32
    %parallel_loop3A_2 = arith.constant 16 : i32
    scf.for %parallel_loop3A_19 = %parallel_loop3A to %parallel_loop3A_1 step %parallel_loop3A_2  : i32 {
      %parallel_loop3A_20 = arith.index_cast %parallel_loop3A_19 : i32 to index
      %parallel_loop3A_21 = tpu.vector_load %arg6[%parallel_loop3A_20] {strides = array<i32>} : memref<65536xi32, #tpu.memory_space<vmem>>, vector<16xi32>,
      tpu.vector_store %arg6[%parallel_loop3A_20], %broadcast_in_dim3A_0 {strides = array<i32>} : memref<65536xi32, #tpu.memory_space<vmem>>, vector<16xi32>,
    } {sc.loop_unroll_factor = 8 : i64, sc.parallel_access}
    %broadcast_in_dim3A_3 = arith.constant 1 : i32
    %broadcast_in_dim3A_4 = vector.broadcast %broadcast_in_dim3A_3 : i32 to vector<16xi32>
    %mul3A = arith.constant 2 : i32
    %mul3A_5 = arith.muli %arg1, %mul3A : i32
    %add3A = arith.addi %mul3A_5, %arg0 : i32
    %mul3A_6 = arith.constant 128 : i32
    %mul3A_7 = arith.muli %add3A, %mul3A_6 : i32
    %add3A_8 = arith.constant 0 : i32
    %add3A_9 = arith.addi %mul3A_7, %add3A_8 : i32
    %dma_start3A = arith.constant 0 : i32
    %dma_start3A_10 = tpu.memref_slice %arg2[%add3A_9, %dma_start3A] : memref<4096x4096xi32, #tpu.memory_space<hbm>> -> memref<4x4096xi32, #tpu.memory_space<hbm>>
    %dma_start3A_11 = arith.constant 0 : i32
    %dma_start3A_12 = tpu.memref_slice %arg2[%add3A_9, %dma_start3A_11] : memref<4096x4096xi32, #tpu.memory_space<hbm>> -> memref<4x4096xi32, #tpu.memory_space<hbm>>
    tpu.enqueue_dma source(%dma_start3A_12 : memref<4x4096xi32, #tpu.memory_space<hbm>>) target(%arg4 : memref<4x4096xi32, #tpu.memory_space<vmem>>) target_semaphore(%arg7 : memref<!tpu.dma_semaphore, #tpu.memory_space<semaphore_mem>>)
    %scan3A = arith.constant 0 : i32
    %scan3A_13 = arith.constant 0 : i32
    %scan3A_14 = arith.constant 16 : i32
    %scan3A_15 = arith.addi %scan3A_13, %scan3A_14 : i32
    %scan3A_16 = arith.constant 1 : i32
    %scan3A_17 = scf.for %scan3A_19 = %scan3A_13 to %scan3A_15 step %scan3A_16 iter_args(%scan3A_20 = %scan3A) -> (i32)  : i32 {
      %mul3A_21 = arith.constant 2 : i32
      %mul3A_22 = arith.muli %scan3A_19, %mul3A_21 : i32
      %add3A_23 = arith.constant 1 : i32
      %add3A_24 = arith.addi %mul3A_22, %add3A_23 : i32
      %mul3A_25 = arith.constant 4 : i32
      %mul3A_26 = arith.muli %add3A_24, %mul3A_25 : i32
      %add3A_27 = arith.addi %mul3A_7, %mul3A_26 : i32
      %dma_start3A_28 = arith.constant 0 : i32
      %dma_start3A_29 = tpu.memref_slice %arg2[%add3A_27, %dma_start3A_28] : memref<4096x4096xi32, #tpu.memory_space<hbm>> -> memref<4x4096xi32, #tpu.memory_space<hbm>>
      %dma_start3A_30 = arith.constant 0 : i32
      %dma_start3A_31 = tpu.memref_slice %arg2[%add3A_27, %dma_start3A_30] : memref<4096x4096xi32, #tpu.memory_space<hbm>> -> memref<4x4096xi32, #tpu.memory_space<hbm>>
      tpu.enqueue_dma source(%dma_start3A_31 : memref<4x4096xi32, #tpu.memory_space<hbm>>) target(%arg5 : memref<4x4096xi32, #tpu.memory_space<vmem>>) target_semaphore(%arg8 : memref<!tpu.dma_semaphore, #tpu.memory_space<semaphore_mem>>)
      %dma_wait3A = arith.constant 0 : i32
      %dma_wait3A_32 = arith.constant 0 : i32
      %dma_wait3A_33 = tpu.memref_slice %arg2[%dma_wait3A, %dma_wait3A_32] : memref<4096x4096xi32, #tpu.memory_space<hbm>> -> memref<4x4096xi32, #tpu.memory_space<hbm>>
      %dma_wait3A_34 = arith.constant 0 : i32
      %dma_wait3A_35 = arith.constant 0 : i32
      %dma_wait3A_36 = tpu.memref_slice %arg2[%dma_wait3A_34, %dma_wait3A_35] : memref<4096x4096xi32, #tpu.memory_space<hbm>> -> memref<4x4096xi32, #tpu.memory_space<hbm>>
      tpu.wait_dma2 semaphore(%arg7 : memref<!tpu.dma_semaphore, #tpu.memory_space<semaphore_mem>>) src(%dma_wait3A_36 : memref<4x4096xi32, #tpu.memory_space<hbm>>) dst(%arg4 : memref<4x4096xi32, #tpu.memory_space<vmem>>)
      %parallel_loop3A_37 = arith.constant 0 : i32
      %parallel_loop3A_38 = arith.constant 4096 : i32
      %parallel_loop3A_39 = arith.constant 16 : i32
      scf.for %parallel_loop3A_72 = %parallel_loop3A_37 to %parallel_loop3A_38 step %parallel_loop3A_39  : i32 {
        %parallel_loop3A_73 = arith.constant 0 : i32
        %parallel_loop3A_74 = arith.index_cast %parallel_loop3A_73 : i32 to index
        %parallel_loop3A_75 = arith.index_cast %parallel_loop3A_72 : i32 to index
        %parallel_loop3A_76 = tpu.vector_load %arg4[%parallel_loop3A_74, %parallel_loop3A_75] {strides = array<i32>} : memref<4x4096xi32, #tpu.memory_space<vmem>>, vector<16xi32>,
        %parallel_loop3A_77 = arith.constant 16 : i32
        %parallel_loop3A_78 = vector.broadcast %parallel_loop3A_77 : i32 to vector<16xi32>
        %parallel_loop3A_79 = arith.shrui %parallel_loop3A_76, %parallel_loop3A_78 : vector<16xi32>
        tpu.vector_store_idx %arg6[%parallel_loop3A_79], %broadcast_in_dim3A_4 {add = true} : memref<65536xi32, #tpu.memory_space<vmem>>[vector<16xi32>], vector<16xi32>,
      } {sc.loop_unroll_factor = 16 : i64, sc.parallel_access}
      %parallel_loop3A_40 = arith.constant 0 : i32
      %parallel_loop3A_41 = arith.constant 4096 : i32
      %parallel_loop3A_42 = arith.constant 16 : i32
      scf.for %parallel_loop3A_72 = %parallel_loop3A_40 to %parallel_loop3A_41 step %parallel_loop3A_42  : i32 {
        %parallel_loop3A_73 = arith.constant 1 : i32
        %parallel_loop3A_74 = arith.index_cast %parallel_loop3A_73 : i32 to index
        %parallel_loop3A_75 = arith.index_cast %parallel_loop3A_72 : i32 to index
        %parallel_loop3A_76 = tpu.vector_load %arg4[%parallel_loop3A_74, %parallel_loop3A_75] {strides = array<i32>} : memref<4x4096xi32, #tpu.memory_space<vmem>>, vector<16xi32>,
        %parallel_loop3A_77 = arith.constant 16 : i32
        %parallel_loop3A_78 = vector.broadcast %parallel_loop3A_77 : i32 to vector<16xi32>
        %parallel_loop3A_79 = arith.shrui %parallel_loop3A_76, %parallel_loop3A_78 : vector<16xi32>
        tpu.vector_store_idx %arg6[%parallel_loop3A_79], %broadcast_in_dim3A_4 {add = true} : memref<65536xi32, #tpu.memory_space<vmem>>[vector<16xi32>], vector<16xi32>,
      } {sc.loop_unroll_factor = 16 : i64, sc.parallel_access}
      %parallel_loop3A_43 = arith.constant 0 : i32
      %parallel_loop3A_44 = arith.constant 4096 : i32
      %parallel_loop3A_45 = arith.constant 16 : i32
      scf.for %parallel_loop3A_72 = %parallel_loop3A_43 to %parallel_loop3A_44 step %parallel_loop3A_45  : i32 {
        %parallel_loop3A_73 = arith.constant 2 : i32
        %parallel_loop3A_74 = arith.index_cast %parallel_loop3A_73 : i32 to index
        %parallel_loop3A_75 = arith.index_cast %parallel_loop3A_72 : i32 to index
        %parallel_loop3A_76 = tpu.vector_load %arg4[%parallel_loop3A_74, %parallel_loop3A_75] {strides = array<i32>} : memref<4x4096xi32, #tpu.memory_space<vmem>>, vector<16xi32>,
        %parallel_loop3A_77 = arith.constant 16 : i32
        %parallel_loop3A_78 = vector.broadcast %parallel_loop3A_77 : i32 to vector<16xi32>
        %parallel_loop3A_79 = arith.shrui %parallel_loop3A_76, %parallel_loop3A_78 : vector<16xi32>
        tpu.vector_store_idx %arg6[%parallel_loop3A_79], %broadcast_in_dim3A_4 {add = true} : memref<65536xi32, #tpu.memory_space<vmem>>[vector<16xi32>], vector<16xi32>,
      } {sc.loop_unroll_factor = 16 : i64, sc.parallel_access}
      %parallel_loop3A_46 = arith.constant 0 : i32
      %parallel_loop3A_47 = arith.constant 4096 : i32
      %parallel_loop3A_48 = arith.constant 16 : i32
      scf.for %parallel_loop3A_72 = %parallel_loop3A_46 to %parallel_loop3A_47 step %parallel_loop3A_48  : i32 {
        %parallel_loop3A_73 = arith.constant 3 : i32
        %parallel_loop3A_74 = arith.index_cast %parallel_loop3A_73 : i32 to index
        %parallel_loop3A_75 = arith.index_cast %parallel_loop3A_72 : i32 to index
        %parallel_loop3A_76 = tpu.vector_load %arg4[%parallel_loop3A_74, %parallel_loop3A_75] {strides = array<i32>} : memref<4x4096xi32, #tpu.memory_space<vmem>>, vector<16xi32>,
        %parallel_loop3A_77 = arith.constant 16 : i32
        %parallel_loop3A_78 = vector.broadcast %parallel_loop3A_77 : i32 to vector<16xi32>
        %parallel_loop3A_79 = arith.shrui %parallel_loop3A_76, %parallel_loop3A_78 : vector<16xi32>
        tpu.vector_store_idx %arg6[%parallel_loop3A_79], %broadcast_in_dim3A_4 {add = true} : memref<65536xi32, #tpu.memory_space<vmem>>[vector<16xi32>], vector<16xi32>,
      } {sc.loop_unroll_factor = 16 : i64, sc.parallel_access}
      %add3A_49 = arith.constant 2 : i32
      %add3A_50 = arith.addi %mul3A_22, %add3A_49 : i32
      %lt3A = arith.constant 32 : i32
      %lt3A_51 = arith.cmpi slt, %add3A_50, %lt3A : i32
      %convert_element_type3A = arith.extui %lt3A_51 : i1 to i32
      %cond3A = arith.constant 0 : i32
      %cond3A_52 = arith.cmpi ne, %convert_element_type3A, %cond3A : i32
      scf.if %cond3A_52 {
        %add3A_72 = arith.constant 2 : i32
        %add3A_73 = arith.addi %mul3A_22, %add3A_72 : i32
        %mul3A_74 = arith.constant 4 : i32
        %mul3A_75 = arith.muli %add3A_73, %mul3A_74 : i32
        %add3A_76 = arith.addi %mul3A_7, %mul3A_75 : i32
        %dma_start3A_77 = arith.constant 0 : i32
        %dma_start3A_78 = tpu.memref_slice %arg2[%add3A_76, %dma_start3A_77] : memref<4096x4096xi32, #tpu.memory_space<hbm>> -> memref<4x4096xi32, #tpu.memory_space<hbm>>
        %dma_start3A_79 = arith.constant 0 : i32
        %dma_start3A_80 = tpu.memref_slice %arg2[%add3A_76, %dma_start3A_79] : memref<4096x4096xi32, #tpu.memory_space<hbm>> -> memref<4x4096xi32, #tpu.memory_space<hbm>>
        tpu.enqueue_dma source(%dma_start3A_80 : memref<4x4096xi32, #tpu.memory_space<hbm>>) target(%arg4 : memref<4x4096xi32, #tpu.memory_space<vmem>>) target_semaphore(%arg7 : memref<!tpu.dma_semaphore, #tpu.memory_space<semaphore_mem>>)
      } else {
      }
      %dma_wait3A_53 = arith.constant 0 : i32
      %dma_wait3A_54 = arith.constant 0 : i32
      %dma_wait3A_55 = tpu.memref_slice %arg2[%dma_wait3A_53, %dma_wait3A_54] : memref<4096x4096xi32, #tpu.memory_space<hbm>> -> memref<4x4096xi32, #tpu.memory_space<hbm>>
      %dma_wait3A_56 = arith.constant 0 : i32
      %dma_wait3A_57 = arith.constant 0 : i32
      %dma_wait3A_58 = tpu.memref_slice %arg2[%dma_wait3A_56, %dma_wait3A_57] : memref<4096x4096xi32, #tpu.memory_space<hbm>> -> memref<4x4096xi32, #tpu.memory_space<hbm>>
      tpu.wait_dma2 semaphore(%arg8 : memref<!tpu.dma_semaphore, #tpu.memory_space<semaphore_mem>>) src(%dma_wait3A_58 : memref<4x4096xi32, #tpu.memory_space<hbm>>) dst(%arg5 : memref<4x4096xi32, #tpu.memory_space<vmem>>)
      %parallel_loop3A_59 = arith.constant 0 : i32
      %parallel_loop3A_60 = arith.constant 4096 : i32
      %parallel_loop3A_61 = arith.constant 16 : i32
      scf.for %parallel_loop3A_72 = %parallel_loop3A_59 to %parallel_loop3A_60 step %parallel_loop3A_61  : i32 {
        %parallel_loop3A_73 = arith.constant 0 : i32
        %parallel_loop3A_74 = arith.index_cast %parallel_loop3A_73 : i32 to index
        %parallel_loop3A_75 = arith.index_cast %parallel_loop3A_72 : i32 to index
        %parallel_loop3A_76 = tpu.vector_load %arg5[%parallel_loop3A_74, %parallel_loop3A_75] {strides = array<i32>} : memref<4x4096xi32, #tpu.memory_space<vmem>>, vector<16xi32>,
        %parallel_loop3A_77 = arith.constant 16 : i32
        %parallel_loop3A_78 = vector.broadcast %parallel_loop3A_77 : i32 to vector<16xi32>
        %parallel_loop3A_79 = arith.shrui %parallel_loop3A_76, %parallel_loop3A_78 : vector<16xi32>
        tpu.vector_store_idx %arg6[%parallel_loop3A_79], %broadcast_in_dim3A_4 {add = true} : memref<65536xi32, #tpu.memory_space<vmem>>[vector<16xi32>], vector<16xi32>,
      } {sc.loop_unroll_factor = 16 : i64, sc.parallel_access}
      %parallel_loop3A_62 = arith.constant 0 : i32
      %parallel_loop3A_63 = arith.constant 4096 : i32
      %parallel_loop3A_64 = arith.constant 16 : i32
      scf.for %parallel_loop3A_72 = %parallel_loop3A_62 to %parallel_loop3A_63 step %parallel_loop3A_64  : i32 {
        %parallel_loop3A_73 = arith.constant 1 : i32
        %parallel_loop3A_74 = arith.index_cast %parallel_loop3A_73 : i32 to index
        %parallel_loop3A_75 = arith.index_cast %parallel_loop3A_72 : i32 to index
        %parallel_loop3A_76 = tpu.vector_load %arg5[%parallel_loop3A_74, %parallel_loop3A_75] {strides = array<i32>} : memref<4x4096xi32, #tpu.memory_space<vmem>>, vector<16xi32>,
        %parallel_loop3A_77 = arith.constant 16 : i32
        %parallel_loop3A_78 = vector.broadcast %parallel_loop3A_77 : i32 to vector<16xi32>
        %parallel_loop3A_79 = arith.shrui %parallel_loop3A_76, %parallel_loop3A_78 : vector<16xi32>
        tpu.vector_store_idx %arg6[%parallel_loop3A_79], %broadcast_in_dim3A_4 {add = true} : memref<65536xi32, #tpu.memory_space<vmem>>[vector<16xi32>], vector<16xi32>,
      } {sc.loop_unroll_factor = 16 : i64, sc.parallel_access}
      %parallel_loop3A_65 = arith.constant 0 : i32
      %parallel_loop3A_66 = arith.constant 4096 : i32
      %parallel_loop3A_67 = arith.constant 16 : i32
      scf.for %parallel_loop3A_72 = %parallel_loop3A_65 to %parallel_loop3A_66 step %parallel_loop3A_67  : i32 {
        %parallel_loop3A_73 = arith.constant 2 : i32
        %parallel_loop3A_74 = arith.index_cast %parallel_loop3A_73 : i32 to index
        %parallel_loop3A_75 = arith.index_cast %parallel_loop3A_72 : i32 to index
        %parallel_loop3A_76 = tpu.vector_load %arg5[%parallel_loop3A_74, %parallel_loop3A_75] {strides = array<i32>} : memref<4x4096xi32, #tpu.memory_space<vmem>>, vector<16xi32>,
        %parallel_loop3A_77 = arith.constant 16 : i32
        %parallel_loop3A_78 = vector.broadcast %parallel_loop3A_77 : i32 to vector<16xi32>
        %parallel_loop3A_79 = arith.shrui %parallel_loop3A_76, %parallel_loop3A_78 : vector<16xi32>
        tpu.vector_store_idx %arg6[%parallel_loop3A_79], %broadcast_in_dim3A_4 {add = true} : memref<65536xi32, #tpu.memory_space<vmem>>[vector<16xi32>], vector<16xi32>,
      } {sc.loop_unroll_factor = 16 : i64, sc.parallel_access}
      %parallel_loop3A_68 = arith.constant 0 : i32
      %parallel_loop3A_69 = arith.constant 4096 : i32
      %parallel_loop3A_70 = arith.constant 16 : i32
      scf.for %parallel_loop3A_72 = %parallel_loop3A_68 to %parallel_loop3A_69 step %parallel_loop3A_70  : i32 {
        %parallel_loop3A_73 = arith.constant 3 : i32
        %parallel_loop3A_74 = arith.index_cast %parallel_loop3A_73 : i32 to index
        %parallel_loop3A_75 = arith.index_cast %parallel_loop3A_72 : i32 to index
        %parallel_loop3A_76 = tpu.vector_load %arg5[%parallel_loop3A_74, %parallel_loop3A_75] {strides = array<i32>} : memref<4x4096xi32, #tpu.memory_space<vmem>>, vector<16xi32>,
        %parallel_loop3A_77 = arith.constant 16 : i32
        %parallel_loop3A_78 = vector.broadcast %parallel_loop3A_77 : i32 to vector<16xi32>
        %parallel_loop3A_79 = arith.shrui %parallel_loop3A_76, %parallel_loop3A_78 : vector<16xi32>
        tpu.vector_store_idx %arg6[%parallel_loop3A_79], %broadcast_in_dim3A_4 {add = true} : memref<65536xi32, #tpu.memory_space<vmem>>[vector<16xi32>], vector<16xi32>,
      } {sc.loop_unroll_factor = 16 : i64, sc.parallel_access}
      %scan3A_71 = arith.constant 0 : i32
      scf.yield %scan3A_71 : i32
    }
    %scan3A_18 = arith.constant 16 : i32
    "tpu.region"() ({
      %run_scoped3A = tpu.sem_alloc : memref<!tpu.dma_semaphore, #tpu.memory_space<semaphore_mem>>
      %dma_start3A_19 = arith.constant 0 : i32
      %dma_start3A_20 = tpu.memref_slice %arg3[%add3A, %dma_start3A_19] : memref<32x65536xi32, #tpu.memory_space<hbm>> -> memref<1x65536xi32, #tpu.memory_space<hbm>>
      %dma_start3A_21 = tpu.memref_squeeze %dma_start3A_20 : memref<1x65536xi32, #tpu.memory_space<hbm>> -> memref<65536xi32, #tpu.memory_space<hbm>>
      %dma_start3A_22 = arith.constant 0 : i32
      %dma_start3A_23 = tpu.memref_slice %arg3[%add3A, %dma_start3A_22] : memref<32x65536xi32, #tpu.memory_space<hbm>> -> memref<1x65536xi32, #tpu.memory_space<hbm>>
      %dma_start3A_24 = tpu.memref_squeeze %dma_start3A_23 : memref<1x65536xi32, #tpu.memory_space<hbm>> -> memref<65536xi32, #tpu.memory_space<hbm>>
      tpu.enqueue_dma source(%arg6 : memref<65536xi32, #tpu.memory_space<vmem>>) target(%dma_start3A_24 : memref<65536xi32, #tpu.memory_space<hbm>>) target_semaphore(%run_scoped3A : memref<!tpu.dma_semaphore, #tpu.memory_space<semaphore_mem>>)
      %dma_wait3A = arith.constant 0 : i32
      %dma_wait3A_25 = tpu.memref_slice %arg3[%add3A, %dma_wait3A] : memref<32x65536xi32, #tpu.memory_space<hbm>> -> memref<1x65536xi32, #tpu.memory_space<hbm>>
      %dma_wait3A_26 = tpu.memref_squeeze %dma_wait3A_25 : memref<1x65536xi32, #tpu.memory_space<hbm>> -> memref<65536xi32, #tpu.memory_space<hbm>>
      %dma_wait3A_27 = arith.constant 0 : i32
      %dma_wait3A_28 = tpu.memref_slice %arg3[%add3A, %dma_wait3A_27] : memref<32x65536xi32, #tpu.memory_space<hbm>> -> memref<1x65536xi32, #tpu.memory_space<hbm>>
      %dma_wait3A_29 = tpu.memref_squeeze %dma_wait3A_28 : memref<1x65536xi32, #tpu.memory_space<hbm>> -> memref<65536xi32, #tpu.memory_space<hbm>>
      tpu.wait_dma2 semaphore(%run_scoped3A : memref<!tpu.dma_semaphore, #tpu.memory_space<semaphore_mem>>) src(%arg6 : memref<65536xi32, #tpu.memory_space<vmem>>) dst(%dma_wait3A_29 : memref<65536xi32, #tpu.memory_space<hbm>>)
      tpu.yield
    }) : () -> ()
    return
  }
}

#map = affine_map<(d0, d1) -> (0)>
#map1 = affine_map<(d0, d1) -> (0, 0)>
module attributes {stable_mosaic.version = 14 : i64} {
  func.func @_sc_hist2_body(%arg0: i32, %arg1: i32, %arg2: memref<16xi32, #tpu.memory_space<hbm>>, %arg3: memref<4096x4096xi32, #tpu.memory_space<hbm>>, %arg4: memref<32x65536xi32, #tpu.memory_space<hbm>>, %arg5: memref<16xi32, #tpu.memory_space<vmem>>, %arg6: memref<4x4096xi32, #tpu.memory_space<vmem>>, %arg7: memref<4x4096xi32, #tpu.memory_space<vmem>>, %arg8: memref<65536xi32, #tpu.memory_space<vmem>>, %arg9: memref<!tpu.dma_semaphore, #tpu.memory_space<semaphore_mem>>, %arg10: memref<!tpu.dma_semaphore, #tpu.memory_space<semaphore_mem>>) attributes {dimension_semantics = [#tpu.dimension_semantics<core_parallel>, #tpu.dimension_semantics<subcore_parallel>], iteration_bounds = array<i64: 2, 16>, scalar_prefetch = 0 : i64, scratch_operands = 6 : i64, tpu.core_type = #tpu.core_type<sc_vector_subcore>, window_params = [{transform_indices = #map}, {transform_indices = #map1}, {transform_indices = #map1}]} {
    %broadcast_in_dim3A = arith.constant 0 : i32
    %broadcast_in_dim3A_0 = vector.broadcast %broadcast_in_dim3A : i32 to vector<16xi32>
    %parallel_loop3A = arith.constant 0 : i32
    %parallel_loop3A_1 = arith.constant 65536 : i32
    %parallel_loop3A_2 = arith.constant 16 : i32
    scf.for %parallel_loop3A_20 = %parallel_loop3A to %parallel_loop3A_1 step %parallel_loop3A_2  : i32 {
      %parallel_loop3A_21 = arith.index_cast %parallel_loop3A_20 : i32 to index
      %parallel_loop3A_22 = tpu.vector_load %arg8[%parallel_loop3A_21] {strides = array<i32>} : memref<65536xi32, #tpu.memory_space<vmem>>, vector<16xi32>,
      tpu.vector_store %arg8[%parallel_loop3A_21], %broadcast_in_dim3A_0 {strides = array<i32>} : memref<65536xi32, #tpu.memory_space<vmem>>, vector<16xi32>,
    } {sc.loop_unroll_factor = 8 : i64, sc.parallel_access}
    "tpu.region"() ({
      %run_scoped3A = tpu.sem_alloc : memref<!tpu.dma_semaphore, #tpu.memory_space<semaphore_mem>>
      tpu.enqueue_dma source(%arg2 : memref<16xi32, #tpu.memory_space<hbm>>) target(%arg5 : memref<16xi32, #tpu.memory_space<vmem>>) target_semaphore(%run_scoped3A : memref<!tpu.dma_semaphore, #tpu.memory_space<semaphore_mem>>)
      tpu.wait_dma2 semaphore(%run_scoped3A : memref<!tpu.dma_semaphore, #tpu.memory_space<semaphore_mem>>) src(%arg2 : memref<16xi32, #tpu.memory_space<hbm>>) dst(%arg5 : memref<16xi32, #tpu.memory_space<vmem>>)
      tpu.yield
    }) : () -> ()
    %get3A = arith.constant 0 : index
    %get3A_3 = tpu.vector_load %arg5[%get3A] {strides = array<i32>} : memref<16xi32, #tpu.memory_space<vmem>>, vector<16xi32>,
    %broadcast_in_dim3A_4 = arith.constant 1 : i32
    %broadcast_in_dim3A_5 = vector.broadcast %broadcast_in_dim3A_4 : i32 to vector<16xi32>
    %mul3A = arith.constant 2 : i32
    %mul3A_6 = arith.muli %arg1, %mul3A : i32
    %add3A = arith.addi %mul3A_6, %arg0 : i32
    %mul3A_7 = arith.constant 128 : i32
    %mul3A_8 = arith.muli %add3A, %mul3A_7 : i32
    %add3A_9 = arith.constant 0 : i32
    %add3A_10 = arith.addi %mul3A_8, %add3A_9 : i32
    %dma_start3A = arith.constant 0 : i32
    %dma_start3A_11 = tpu.memref_slice %arg3[%add3A_10, %dma_start3A] : memref<4096x4096xi32, #tpu.memory_space<hbm>> -> memref<4x4096xi32, #tpu.memory_space<hbm>>
    %dma_start3A_12 = arith.constant 0 : i32
    %dma_start3A_13 = tpu.memref_slice %arg3[%add3A_10, %dma_start3A_12] : memref<4096x4096xi32, #tpu.memory_space<hbm>> -> memref<4x4096xi32, #tpu.memory_space<hbm>>
    tpu.enqueue_dma source(%dma_start3A_13 : memref<4x4096xi32, #tpu.memory_space<hbm>>) target(%arg6 : memref<4x4096xi32, #tpu.memory_space<vmem>>) target_semaphore(%arg9 : memref<!tpu.dma_semaphore, #tpu.memory_space<semaphore_mem>>)
    %scan3A = arith.constant 0 : i32
    %scan3A_14 = arith.constant 0 : i32
    %scan3A_15 = arith.constant 16 : i32
    %scan3A_16 = arith.addi %scan3A_14, %scan3A_15 : i32
    %scan3A_17 = arith.constant 1 : i32
    %scan3A_18 = scf.for %scan3A_20 = %scan3A_14 to %scan3A_16 step %scan3A_17 iter_args(%scan3A_21 = %scan3A) -> (i32)  : i32 {
      %mul3A_22 = arith.constant 2 : i32
      %mul3A_23 = arith.muli %scan3A_20, %mul3A_22 : i32
      %add3A_24 = arith.constant 1 : i32
      %add3A_25 = arith.addi %mul3A_23, %add3A_24 : i32
      %mul3A_26 = arith.constant 4 : i32
      %mul3A_27 = arith.muli %add3A_25, %mul3A_26 : i32
      %add3A_28 = arith.addi %mul3A_8, %mul3A_27 : i32
      %dma_start3A_29 = arith.constant 0 : i32
      %dma_start3A_30 = tpu.memref_slice %arg3[%add3A_28, %dma_start3A_29] : memref<4096x4096xi32, #tpu.memory_space<hbm>> -> memref<4x4096xi32, #tpu.memory_space<hbm>>
      %dma_start3A_31 = arith.constant 0 : i32
      %dma_start3A_32 = tpu.memref_slice %arg3[%add3A_28, %dma_start3A_31] : memref<4096x4096xi32, #tpu.memory_space<hbm>> -> memref<4x4096xi32, #tpu.memory_space<hbm>>
      tpu.enqueue_dma source(%dma_start3A_32 : memref<4x4096xi32, #tpu.memory_space<hbm>>) target(%arg7 : memref<4x4096xi32, #tpu.memory_space<vmem>>) target_semaphore(%arg10 : memref<!tpu.dma_semaphore, #tpu.memory_space<semaphore_mem>>)
      %dma_wait3A = arith.constant 0 : i32
      %dma_wait3A_33 = arith.constant 0 : i32
      %dma_wait3A_34 = tpu.memref_slice %arg3[%dma_wait3A, %dma_wait3A_33] : memref<4096x4096xi32, #tpu.memory_space<hbm>> -> memref<4x4096xi32, #tpu.memory_space<hbm>>
      %dma_wait3A_35 = arith.constant 0 : i32
      %dma_wait3A_36 = arith.constant 0 : i32
      %dma_wait3A_37 = tpu.memref_slice %arg3[%dma_wait3A_35, %dma_wait3A_36] : memref<4096x4096xi32, #tpu.memory_space<hbm>> -> memref<4x4096xi32, #tpu.memory_space<hbm>>
      tpu.wait_dma2 semaphore(%arg9 : memref<!tpu.dma_semaphore, #tpu.memory_space<semaphore_mem>>) src(%dma_wait3A_37 : memref<4x4096xi32, #tpu.memory_space<hbm>>) dst(%arg6 : memref<4x4096xi32, #tpu.memory_space<vmem>>)
      %parallel_loop3A_38 = arith.constant 0 : i32
      %parallel_loop3A_39 = arith.constant 4096 : i32
      %parallel_loop3A_40 = arith.constant 16 : i32
      scf.for %parallel_loop3A_73 = %parallel_loop3A_38 to %parallel_loop3A_39 step %parallel_loop3A_40  : i32 {
        %parallel_loop3A_74 = arith.constant 0 : i32
        %parallel_loop3A_75 = arith.index_cast %parallel_loop3A_74 : i32 to index
        %parallel_loop3A_76 = arith.index_cast %parallel_loop3A_73 : i32 to index
        %parallel_loop3A_77 = tpu.vector_load %arg6[%parallel_loop3A_75, %parallel_loop3A_76] {strides = array<i32>} : memref<4x4096xi32, #tpu.memory_space<vmem>>, vector<16xi32>,
        %parallel_loop3A_78 = arith.constant 16 : i32
        %parallel_loop3A_79 = vector.broadcast %parallel_loop3A_78 : i32 to vector<16xi32>
        %parallel_loop3A_80 = arith.shrsi %parallel_loop3A_77, %parallel_loop3A_79 : vector<16xi32>
        %parallel_loop3A_81 = arith.constant 65535 : i32
        %parallel_loop3A_82 = vector.broadcast %parallel_loop3A_81 : i32 to vector<16xi32>
        %parallel_loop3A_83 = arith.andi %parallel_loop3A_77, %parallel_loop3A_82 : vector<16xi32>
        %parallel_loop3A_84 = arith.cmpi eq, %parallel_loop3A_80, %get3A_3 : vector<16xi32>
        tpu.vector_store_idx %arg8[%parallel_loop3A_83], %broadcast_in_dim3A_5 masked %parallel_loop3A_84 {add = true} : memref<65536xi32, #tpu.memory_space<vmem>>[vector<16xi32>], vector<16xi32>, vector<16xi1>
      } {sc.loop_unroll_factor = 16 : i64, sc.parallel_access}
      %parallel_loop3A_41 = arith.constant 0 : i32
      %parallel_loop3A_42 = arith.constant 4096 : i32
      %parallel_loop3A_43 = arith.constant 16 : i32
      scf.for %parallel_loop3A_73 = %parallel_loop3A_41 to %parallel_loop3A_42 step %parallel_loop3A_43  : i32 {
        %parallel_loop3A_74 = arith.constant 1 : i32
        %parallel_loop3A_75 = arith.index_cast %parallel_loop3A_74 : i32 to index
        %parallel_loop3A_76 = arith.index_cast %parallel_loop3A_73 : i32 to index
        %parallel_loop3A_77 = tpu.vector_load %arg6[%parallel_loop3A_75, %parallel_loop3A_76] {strides = array<i32>} : memref<4x4096xi32, #tpu.memory_space<vmem>>, vector<16xi32>,
        %parallel_loop3A_78 = arith.constant 16 : i32
        %parallel_loop3A_79 = vector.broadcast %parallel_loop3A_78 : i32 to vector<16xi32>
        %parallel_loop3A_80 = arith.shrsi %parallel_loop3A_77, %parallel_loop3A_79 : vector<16xi32>
        %parallel_loop3A_81 = arith.constant 65535 : i32
        %parallel_loop3A_82 = vector.broadcast %parallel_loop3A_81 : i32 to vector<16xi32>
        %parallel_loop3A_83 = arith.andi %parallel_loop3A_77, %parallel_loop3A_82 : vector<16xi32>
        %parallel_loop3A_84 = arith.cmpi eq, %parallel_loop3A_80, %get3A_3 : vector<16xi32>
        tpu.vector_store_idx %arg8[%parallel_loop3A_83], %broadcast_in_dim3A_5 masked %parallel_loop3A_84 {add = true} : memref<65536xi32, #tpu.memory_space<vmem>>[vector<16xi32>], vector<16xi32>, vector<16xi1>
      } {sc.loop_unroll_factor = 16 : i64, sc.parallel_access}
      %parallel_loop3A_44 = arith.constant 0 : i32
      %parallel_loop3A_45 = arith.constant 4096 : i32
      %parallel_loop3A_46 = arith.constant 16 : i32
      scf.for %parallel_loop3A_73 = %parallel_loop3A_44 to %parallel_loop3A_45 step %parallel_loop3A_46  : i32 {
        %parallel_loop3A_74 = arith.constant 2 : i32
        %parallel_loop3A_75 = arith.index_cast %parallel_loop3A_74 : i32 to index
        %parallel_loop3A_76 = arith.index_cast %parallel_loop3A_73 : i32 to index
        %parallel_loop3A_77 = tpu.vector_load %arg6[%parallel_loop3A_75, %parallel_loop3A_76] {strides = array<i32>} : memref<4x4096xi32, #tpu.memory_space<vmem>>, vector<16xi32>,
        %parallel_loop3A_78 = arith.constant 16 : i32
        %parallel_loop3A_79 = vector.broadcast %parallel_loop3A_78 : i32 to vector<16xi32>
        %parallel_loop3A_80 = arith.shrsi %parallel_loop3A_77, %parallel_loop3A_79 : vector<16xi32>
        %parallel_loop3A_81 = arith.constant 65535 : i32
        %parallel_loop3A_82 = vector.broadcast %parallel_loop3A_81 : i32 to vector<16xi32>
        %parallel_loop3A_83 = arith.andi %parallel_loop3A_77, %parallel_loop3A_82 : vector<16xi32>
        %parallel_loop3A_84 = arith.cmpi eq, %parallel_loop3A_80, %get3A_3 : vector<16xi32>
        tpu.vector_store_idx %arg8[%parallel_loop3A_83], %broadcast_in_dim3A_5 masked %parallel_loop3A_84 {add = true} : memref<65536xi32, #tpu.memory_space<vmem>>[vector<16xi32>], vector<16xi32>, vector<16xi1>
      } {sc.loop_unroll_factor = 16 : i64, sc.parallel_access}
      %parallel_loop3A_47 = arith.constant 0 : i32
      %parallel_loop3A_48 = arith.constant 4096 : i32
      %parallel_loop3A_49 = arith.constant 16 : i32
      scf.for %parallel_loop3A_73 = %parallel_loop3A_47 to %parallel_loop3A_48 step %parallel_loop3A_49  : i32 {
        %parallel_loop3A_74 = arith.constant 3 : i32
        %parallel_loop3A_75 = arith.index_cast %parallel_loop3A_74 : i32 to index
        %parallel_loop3A_76 = arith.index_cast %parallel_loop3A_73 : i32 to index
        %parallel_loop3A_77 = tpu.vector_load %arg6[%parallel_loop3A_75, %parallel_loop3A_76] {strides = array<i32>} : memref<4x4096xi32, #tpu.memory_space<vmem>>, vector<16xi32>,
        %parallel_loop3A_78 = arith.constant 16 : i32
        %parallel_loop3A_79 = vector.broadcast %parallel_loop3A_78 : i32 to vector<16xi32>
        %parallel_loop3A_80 = arith.shrsi %parallel_loop3A_77, %parallel_loop3A_79 : vector<16xi32>
        %parallel_loop3A_81 = arith.constant 65535 : i32
        %parallel_loop3A_82 = vector.broadcast %parallel_loop3A_81 : i32 to vector<16xi32>
        %parallel_loop3A_83 = arith.andi %parallel_loop3A_77, %parallel_loop3A_82 : vector<16xi32>
        %parallel_loop3A_84 = arith.cmpi eq, %parallel_loop3A_80, %get3A_3 : vector<16xi32>
        tpu.vector_store_idx %arg8[%parallel_loop3A_83], %broadcast_in_dim3A_5 masked %parallel_loop3A_84 {add = true} : memref<65536xi32, #tpu.memory_space<vmem>>[vector<16xi32>], vector<16xi32>, vector<16xi1>
      } {sc.loop_unroll_factor = 16 : i64, sc.parallel_access}
      %add3A_50 = arith.constant 2 : i32
      %add3A_51 = arith.addi %mul3A_23, %add3A_50 : i32
      %lt3A = arith.constant 32 : i32
      %lt3A_52 = arith.cmpi slt, %add3A_51, %lt3A : i32
      %convert_element_type3A = arith.extui %lt3A_52 : i1 to i32
      %cond3A = arith.constant 0 : i32
      %cond3A_53 = arith.cmpi ne, %convert_element_type3A, %cond3A : i32
      scf.if %cond3A_53 {
        %add3A_73 = arith.constant 2 : i32
        %add3A_74 = arith.addi %mul3A_23, %add3A_73 : i32
        %mul3A_75 = arith.constant 4 : i32
        %mul3A_76 = arith.muli %add3A_74, %mul3A_75 : i32
        %add3A_77 = arith.addi %mul3A_8, %mul3A_76 : i32
        %dma_start3A_78 = arith.constant 0 : i32
        %dma_start3A_79 = tpu.memref_slice %arg3[%add3A_77, %dma_start3A_78] : memref<4096x4096xi32, #tpu.memory_space<hbm>> -> memref<4x4096xi32, #tpu.memory_space<hbm>>
        %dma_start3A_80 = arith.constant 0 : i32
        %dma_start3A_81 = tpu.memref_slice %arg3[%add3A_77, %dma_start3A_80] : memref<4096x4096xi32, #tpu.memory_space<hbm>> -> memref<4x4096xi32, #tpu.memory_space<hbm>>
        tpu.enqueue_dma source(%dma_start3A_81 : memref<4x4096xi32, #tpu.memory_space<hbm>>) target(%arg6 : memref<4x4096xi32, #tpu.memory_space<vmem>>) target_semaphore(%arg9 : memref<!tpu.dma_semaphore, #tpu.memory_space<semaphore_mem>>)
      } else {
      }
      %dma_wait3A_54 = arith.constant 0 : i32
      %dma_wait3A_55 = arith.constant 0 : i32
      %dma_wait3A_56 = tpu.memref_slice %arg3[%dma_wait3A_54, %dma_wait3A_55] : memref<4096x4096xi32, #tpu.memory_space<hbm>> -> memref<4x4096xi32, #tpu.memory_space<hbm>>
      %dma_wait3A_57 = arith.constant 0 : i32
      %dma_wait3A_58 = arith.constant 0 : i32
      %dma_wait3A_59 = tpu.memref_slice %arg3[%dma_wait3A_57, %dma_wait3A_58] : memref<4096x4096xi32, #tpu.memory_space<hbm>> -> memref<4x4096xi32, #tpu.memory_space<hbm>>
      tpu.wait_dma2 semaphore(%arg10 : memref<!tpu.dma_semaphore, #tpu.memory_space<semaphore_mem>>) src(%dma_wait3A_59 : memref<4x4096xi32, #tpu.memory_space<hbm>>) dst(%arg7 : memref<4x4096xi32, #tpu.memory_space<vmem>>)
      %parallel_loop3A_60 = arith.constant 0 : i32
      %parallel_loop3A_61 = arith.constant 4096 : i32
      %parallel_loop3A_62 = arith.constant 16 : i32
      scf.for %parallel_loop3A_73 = %parallel_loop3A_60 to %parallel_loop3A_61 step %parallel_loop3A_62  : i32 {
        %parallel_loop3A_74 = arith.constant 0 : i32
        %parallel_loop3A_75 = arith.index_cast %parallel_loop3A_74 : i32 to index
        %parallel_loop3A_76 = arith.index_cast %parallel_loop3A_73 : i32 to index
        %parallel_loop3A_77 = tpu.vector_load %arg7[%parallel_loop3A_75, %parallel_loop3A_76] {strides = array<i32>} : memref<4x4096xi32, #tpu.memory_space<vmem>>, vector<16xi32>,
        %parallel_loop3A_78 = arith.constant 16 : i32
        %parallel_loop3A_79 = vector.broadcast %parallel_loop3A_78 : i32 to vector<16xi32>
        %parallel_loop3A_80 = arith.shrsi %parallel_loop3A_77, %parallel_loop3A_79 : vector<16xi32>
        %parallel_loop3A_81 = arith.constant 65535 : i32
        %parallel_loop3A_82 = vector.broadcast %parallel_loop3A_81 : i32 to vector<16xi32>
        %parallel_loop3A_83 = arith.andi %parallel_loop3A_77, %parallel_loop3A_82 : vector<16xi32>
        %parallel_loop3A_84 = arith.cmpi eq, %parallel_loop3A_80, %get3A_3 : vector<16xi32>
        tpu.vector_store_idx %arg8[%parallel_loop3A_83], %broadcast_in_dim3A_5 masked %parallel_loop3A_84 {add = true} : memref<65536xi32, #tpu.memory_space<vmem>>[vector<16xi32>], vector<16xi32>, vector<16xi1>
      } {sc.loop_unroll_factor = 16 : i64, sc.parallel_access}
      %parallel_loop3A_63 = arith.constant 0 : i32
      %parallel_loop3A_64 = arith.constant 4096 : i32
      %parallel_loop3A_65 = arith.constant 16 : i32
      scf.for %parallel_loop3A_73 = %parallel_loop3A_63 to %parallel_loop3A_64 step %parallel_loop3A_65  : i32 {
        %parallel_loop3A_74 = arith.constant 1 : i32
        %parallel_loop3A_75 = arith.index_cast %parallel_loop3A_74 : i32 to index
        %parallel_loop3A_76 = arith.index_cast %parallel_loop3A_73 : i32 to index
        %parallel_loop3A_77 = tpu.vector_load %arg7[%parallel_loop3A_75, %parallel_loop3A_76] {strides = array<i32>} : memref<4x4096xi32, #tpu.memory_space<vmem>>, vector<16xi32>,
        %parallel_loop3A_78 = arith.constant 16 : i32
        %parallel_loop3A_79 = vector.broadcast %parallel_loop3A_78 : i32 to vector<16xi32>
        %parallel_loop3A_80 = arith.shrsi %parallel_loop3A_77, %parallel_loop3A_79 : vector<16xi32>
        %parallel_loop3A_81 = arith.constant 65535 : i32
        %parallel_loop3A_82 = vector.broadcast %parallel_loop3A_81 : i32 to vector<16xi32>
        %parallel_loop3A_83 = arith.andi %parallel_loop3A_77, %parallel_loop3A_82 : vector<16xi32>
        %parallel_loop3A_84 = arith.cmpi eq, %parallel_loop3A_80, %get3A_3 : vector<16xi32>
        tpu.vector_store_idx %arg8[%parallel_loop3A_83], %broadcast_in_dim3A_5 masked %parallel_loop3A_84 {add = true} : memref<65536xi32, #tpu.memory_space<vmem>>[vector<16xi32>], vector<16xi32>, vector<16xi1>
      } {sc.loop_unroll_factor = 16 : i64, sc.parallel_access}
      %parallel_loop3A_66 = arith.constant 0 : i32
      %parallel_loop3A_67 = arith.constant 4096 : i32
      %parallel_loop3A_68 = arith.constant 16 : i32
      scf.for %parallel_loop3A_73 = %parallel_loop3A_66 to %parallel_loop3A_67 step %parallel_loop3A_68  : i32 {
        %parallel_loop3A_74 = arith.constant 2 : i32
        %parallel_loop3A_75 = arith.index_cast %parallel_loop3A_74 : i32 to index
        %parallel_loop3A_76 = arith.index_cast %parallel_loop3A_73 : i32 to index
        %parallel_loop3A_77 = tpu.vector_load %arg7[%parallel_loop3A_75, %parallel_loop3A_76] {strides = array<i32>} : memref<4x4096xi32, #tpu.memory_space<vmem>>, vector<16xi32>,
        %parallel_loop3A_78 = arith.constant 16 : i32
        %parallel_loop3A_79 = vector.broadcast %parallel_loop3A_78 : i32 to vector<16xi32>
        %parallel_loop3A_80 = arith.shrsi %parallel_loop3A_77, %parallel_loop3A_79 : vector<16xi32>
        %parallel_loop3A_81 = arith.constant 65535 : i32
        %parallel_loop3A_82 = vector.broadcast %parallel_loop3A_81 : i32 to vector<16xi32>
        %parallel_loop3A_83 = arith.andi %parallel_loop3A_77, %parallel_loop3A_82 : vector<16xi32>
        %parallel_loop3A_84 = arith.cmpi eq, %parallel_loop3A_80, %get3A_3 : vector<16xi32>
        tpu.vector_store_idx %arg8[%parallel_loop3A_83], %broadcast_in_dim3A_5 masked %parallel_loop3A_84 {add = true} : memref<65536xi32, #tpu.memory_space<vmem>>[vector<16xi32>], vector<16xi32>, vector<16xi1>
      } {sc.loop_unroll_factor = 16 : i64, sc.parallel_access}
      %parallel_loop3A_69 = arith.constant 0 : i32
      %parallel_loop3A_70 = arith.constant 4096 : i32
      %parallel_loop3A_71 = arith.constant 16 : i32
      scf.for %parallel_loop3A_73 = %parallel_loop3A_69 to %parallel_loop3A_70 step %parallel_loop3A_71  : i32 {
        %parallel_loop3A_74 = arith.constant 3 : i32
        %parallel_loop3A_75 = arith.index_cast %parallel_loop3A_74 : i32 to index
        %parallel_loop3A_76 = arith.index_cast %parallel_loop3A_73 : i32 to index
        %parallel_loop3A_77 = tpu.vector_load %arg7[%parallel_loop3A_75, %parallel_loop3A_76] {strides = array<i32>} : memref<4x4096xi32, #tpu.memory_space<vmem>>, vector<16xi32>,
        %parallel_loop3A_78 = arith.constant 16 : i32
        %parallel_loop3A_79 = vector.broadcast %parallel_loop3A_78 : i32 to vector<16xi32>
        %parallel_loop3A_80 = arith.shrsi %parallel_loop3A_77, %parallel_loop3A_79 : vector<16xi32>
        %parallel_loop3A_81 = arith.constant 65535 : i32
        %parallel_loop3A_82 = vector.broadcast %parallel_loop3A_81 : i32 to vector<16xi32>
        %parallel_loop3A_83 = arith.andi %parallel_loop3A_77, %parallel_loop3A_82 : vector<16xi32>
        %parallel_loop3A_84 = arith.cmpi eq, %parallel_loop3A_80, %get3A_3 : vector<16xi32>
        tpu.vector_store_idx %arg8[%parallel_loop3A_83], %broadcast_in_dim3A_5 masked %parallel_loop3A_84 {add = true} : memref<65536xi32, #tpu.memory_space<vmem>>[vector<16xi32>], vector<16xi32>, vector<16xi1>
      } {sc.loop_unroll_factor = 16 : i64, sc.parallel_access}
      %scan3A_72 = arith.constant 0 : i32
      scf.yield %scan3A_72 : i32
    }
    %scan3A_19 = arith.constant 16 : i32
    "tpu.region"() ({
      %run_scoped3A = tpu.sem_alloc : memref<!tpu.dma_semaphore, #tpu.memory_space<semaphore_mem>>
      %dma_start3A_20 = arith.constant 0 : i32
      %dma_start3A_21 = tpu.memref_slice %arg4[%add3A, %dma_start3A_20] : memref<32x65536xi32, #tpu.memory_space<hbm>> -> memref<1x65536xi32, #tpu.memory_space<hbm>>
      %dma_start3A_22 = tpu.memref_squeeze %dma_start3A_21 : memref<1x65536xi32, #tpu.memory_space<hbm>> -> memref<65536xi32, #tpu.memory_space<hbm>>
      %dma_start3A_23 = arith.constant 0 : i32
      %dma_start3A_24 = tpu.memref_slice %arg4[%add3A, %dma_start3A_23] : memref<32x65536xi32, #tpu.memory_space<hbm>> -> memref<1x65536xi32, #tpu.memory_space<hbm>>
      %dma_start3A_25 = tpu.memref_squeeze %dma_start3A_24 : memref<1x65536xi32, #tpu.memory_space<hbm>> -> memref<65536xi32, #tpu.memory_space<hbm>>
      tpu.enqueue_dma source(%arg8 : memref<65536xi32, #tpu.memory_space<vmem>>) target(%dma_start3A_25 : memref<65536xi32, #tpu.memory_space<hbm>>) target_semaphore(%run_scoped3A : memref<!tpu.dma_semaphore, #tpu.memory_space<semaphore_mem>>)
      %dma_wait3A = arith.constant 0 : i32
      %dma_wait3A_26 = tpu.memref_slice %arg4[%add3A, %dma_wait3A] : memref<32x65536xi32, #tpu.memory_space<hbm>> -> memref<1x65536xi32, #tpu.memory_space<hbm>>
      %dma_wait3A_27 = tpu.memref_squeeze %dma_wait3A_26 : memref<1x65536xi32, #tpu.memory_space<hbm>> -> memref<65536xi32, #tpu.memory_space<hbm>>
      %dma_wait3A_28 = arith.constant 0 : i32
      %dma_wait3A_29 = tpu.memref_slice %arg4[%add3A, %dma_wait3A_28] : memref<32x65536xi32, #tpu.memory_space<hbm>> -> memref<1x65536xi32, #tpu.memory_space<hbm>>
      %dma_wait3A_30 = tpu.memref_squeeze %dma_wait3A_29 : memref<1x65536xi32, #tpu.memory_space<hbm>> -> memref<65536xi32, #tpu.memory_space<hbm>>
      tpu.wait_dma2 semaphore(%run_scoped3A : memref<!tpu.dma_semaphore, #tpu.memory_space<semaphore_mem>>) src(%arg8 : memref<65536xi32, #tpu.memory_space<vmem>>) dst(%dma_wait3A_30 : memref<65536xi32, #tpu.memory_space<hbm>>)
      tpu.yield
    }) : () -> ()
    return
  }
}

module attributes {stable_mosaic.version = 14 : i64} {
  func.func @_tc_key_body(%arg0: i32, %arg1: memref<256x4096xf32, #tpu.memory_space<vmem>>, %arg2: memref<256x4096xf32, #tpu.memory_space<vmem>>, %arg3: memref<256x4096xi32, #tpu.memory_space<vmem>>) attributes {dimension_semantics = [#tpu.dimension_semantics<arbitrary>], iteration_bounds = array<i64: 16>, scalar_prefetch = 0 : i64, scratch_operands = 0 : i64, tpu.core_type = #tpu.core_type<tc>, window_params = [{transform_indices = @transform_0, window_bounds = array<i64: 256, 4096>}, {transform_indices = @transform_1, window_bounds = array<i64: 256, 4096>}, {transform_indices = @transform_2, window_bounds = array<i64: 256, 4096>}]} {
    %get3A = arith.constant 0 : index
    %get3A_0 = arith.constant 0 : index
    %get3A_1 = vector.load %arg1[%get3A, %get3A_0] : memref<256x4096xf32, #tpu.memory_space<vmem>>, vector<256x4096xf32>
    %get3A_2 = arith.constant 0 : index
    %get3A_3 = arith.constant 0 : index
    %get3A_4 = vector.load %arg2[%get3A_2, %get3A_3] : memref<256x4096xf32, #tpu.memory_space<vmem>>, vector<256x4096xf32>
    %sub3A = arith.subf %get3A_1, %get3A_4 : vector<256x4096xf32>
    %bitcast_convert_type3A = tpu.bitcast %sub3A : vector<256x4096xf32> -> vector<256x4096xi32>
    %shift_right_arithmetic3A = arith.constant 31 : i32
    %shift_right_arithmetic3A_5 = vector.broadcast %shift_right_arithmetic3A : i32 to vector<256x4096xi32>
    %shift_right_arithmetic3A_6 = arith.shrsi %bitcast_convert_type3A, %shift_right_arithmetic3A_5 : vector<256x4096xi32>
    %shift_right_logical3A = arith.constant 1 : i32
    %shift_right_logical3A_7 = vector.broadcast %shift_right_logical3A : i32 to vector<256x4096xi32>
    %shift_right_logical3A_8 = arith.shrui %shift_right_arithmetic3A_6, %shift_right_logical3A_7 : vector<256x4096xi32>
    %xor3A = arith.xori %bitcast_convert_type3A, %shift_right_logical3A_8 : vector<256x4096xi32>
    %swap3A = arith.constant 0 : index
    %swap3A_9 = arith.constant 0 : index
    %swap3A_10 = vector.load %arg3[%swap3A, %swap3A_9] : memref<256x4096xi32, #tpu.memory_space<vmem>>, vector<256x4096xi32>
    tpu.vector_store %arg3[%swap3A, %swap3A_9], %xor3A {strides = array<i32>} : memref<256x4096xi32, #tpu.memory_space<vmem>>, vector<256x4096xi32>,
    return
  }
  func.func @transform_0(%arg0: i32) -> (i32, i32) {
    %c0_i32 = arith.constant 0 : i32
    %c0_i32_0 = arith.constant 0 : i32
    return %arg0, %c0_i32 : i32, i32
  }
  func.func @transform_1(%arg0: i32) -> (i32, i32) {
    %c0_i32 = arith.constant 0 : i32
    %c0_i32_0 = arith.constant 0 : i32
    return %arg0, %c0_i32 : i32, i32
  }
  func.func @transform_2(%arg0: i32) -> (i32, i32) {
    %c0_i32 = arith.constant 0 : i32
    %c0_i32_0 = arith.constant 0 : i32
    return %arg0, %c0_i32 : i32, i32
  }
}

module attributes {stable_mosaic.version = 14 : i64} {
  func.func @_tc_mask_body(%arg0: i32, %arg1: memref<1xi32, #tpu.memory_space<smem>>, %arg2: memref<256x4096xi32, #tpu.memory_space<vmem>>, %arg3: memref<256x4096xf32, #tpu.memory_space<vmem>>, %arg4: memref<256x4096xf32, #tpu.memory_space<vmem>>) attributes {dimension_semantics = [#tpu.dimension_semantics<arbitrary>], iteration_bounds = array<i64: 16>, scalar_prefetch = 1 : i64, scratch_operands = 0 : i64, tpu.core_type = #tpu.core_type<tc>, window_params = [{transform_indices = @transform_0, window_bounds = array<i64: 256, 4096>}, {transform_indices = @transform_1, window_bounds = array<i64: 256, 4096>}, {transform_indices = @transform_2, window_bounds = array<i64: 256, 4096>}]} {
    %get3A = arith.constant 0 : index
    %get3A_0 = arith.constant 0 : index
    %get3A_1 = vector.load %arg2[%get3A, %get3A_0] : memref<256x4096xi32, #tpu.memory_space<vmem>>, vector<256x4096xi32>
    %get3A_2 = arith.constant 0 : index
    %get3A_3 = memref.load %arg1[%get3A_2] : memref<1xi32, #tpu.memory_space<smem>>
    %ge3A = vector.broadcast %get3A_3 : i32 to vector<256x4096xi32>
    %ge3A_4 = arith.cmpi sge, %get3A_1, %ge3A : vector<256x4096xi32>
    %get3A_5 = arith.constant 0 : index
    %get3A_6 = arith.constant 0 : index
    %get3A_7 = vector.load %arg3[%get3A_5, %get3A_6] : memref<256x4096xf32, #tpu.memory_space<vmem>>, vector<256x4096xf32>
    %jit3A = arith.constant 0.000000e+00 : f32
    %broadcast_in_dim3A = vector.broadcast %jit3A : f32 to vector<256x4096xf32>
    %select_n3A = arith.select %ge3A_4, %broadcast_in_dim3A, %get3A_7 : vector<256x4096xi1>, vector<256x4096xf32>
    %swap3A = arith.constant 0 : index
    %swap3A_8 = arith.constant 0 : index
    %swap3A_9 = vector.load %arg4[%swap3A, %swap3A_8] : memref<256x4096xf32, #tpu.memory_space<vmem>>, vector<256x4096xf32>
    tpu.vector_store %arg4[%swap3A, %swap3A_8], %select_n3A {strides = array<i32>} : memref<256x4096xf32, #tpu.memory_space<vmem>>, vector<256x4096xf32>,
    return
  }
  func.func @transform_0(%arg0: i32, %arg1: memref<1xi32, #tpu.memory_space<smem>>) -> (i32, i32) {
    %c0_i32 = arith.constant 0 : i32
    %c0_i32_0 = arith.constant 0 : i32
    return %arg0, %c0_i32 : i32, i32
  }
  func.func @transform_1(%arg0: i32, %arg1: memref<1xi32, #tpu.memory_space<smem>>) -> (i32, i32) {
    %c0_i32 = arith.constant 0 : i32
    %c0_i32_0 = arith.constant 0 : i32
    return %arg0, %c0_i32 : i32, i32
  }
  func.func @transform_2(%arg0: i32, %arg1: memref<1xi32, #tpu.memory_space<smem>>) -> (i32, i32) {
    %c0_i32 = arith.constant 0 : i32
    %c0_i32_0 = arith.constant 0 : i32
    return %arg0, %c0_i32 : i32, i32
  }
}

</mosaic_0001>

<sc_bundles>
// kernel: kernel.6.cloned.1.call-start
scs
__scs_entry_jumppad:
0x0: {  	(pc) =	sbr.rel $0x88, $3  }
0x1: {  	(tag) =	ssettag $0x0;
	lr =	simm.s32 $0x1  }
0x2: {  	[smem:$0x3F9E] =	sst lr;
	_ =	strace $0xD0000000  }
0x3: {  	_ = 	snop  }
0x4: {  	_ = 	snop  }
0x5: {  	_ = 	snop  }
0x6: {  	_ = 	snop  }
0x7: {  	_ = 	snop  }
__scs_overlays_trampoline_lowered:
0x8: {  	[smem:$0x3FAD] =	sst s0  }
0x9: {  	[smem:$0x3FAE] =	sst s1  }
0xa: {  	[smem:$0x3FAF] =	sst s2  }
0xb: {  	[smem:$0x3FB0] =	sst s3  }
0xc: {  	[smem:$0x3FB1] =	sst s4  }
0xd: {  	[smem:$0x3FB2] =	sst s5  }
0xe: {  	[smem:$0x3FB3] =	sst s6  }
0xf: {  	[smem:$0x3FB4] =	sst s7  }
0x10: {  	[smem:$0x3FB5] =	sst s8  }
0x11: {  	[smem:$0x3FB6] =	sst s9;
	s0 =	simm.s32 @!p0 $0x0  }
0x12: {  	s1 =	sld [smem:$0x3F9C];
	s0 =	simm.s32 @p0 $0x1  }
0x13: {  	[smem:$0x3FB7] =	sst s0;
	s0 =	simm.s32 @!p1 $0x0  }
0x14: {  	s2 =	sld [smem:$0x3F9B];
	s0 =	simm.s32 @p1 $0x1  }
0x15: {  	[smem:$0x3FB8] =	sst s0;
	s0 =	simm.s32 @!p2 $0x0  }
0x16: {  	s3 =	sld [smem:$0x3FDB];
	s0 =	simm.s32 @p2 $0x1  }
0x17: {  	s4 =	simm.s32 $0x1BF5;
	[smem:$0x3FBA] =	sst s0  }
0x18: {  	s0 =	sld [smem:$0x3F9D];
	_ =	swait.ge [sflag:s4], $0x0  }
0x19: {  	s7 =	sld [smem:$0x3F9E]  }
0x1a: {  	s8 =	sadd.s32 $0xFFFFE003, lr  }
0x1b: {  	s9 =	sadd.s32 $0xFFFFFEF7, lr;
	s5 =	simm.s32 $0xFFFFFFFF;
	p2 =	slt.u32 s8, $0xFFFFF086  }
0x1c: {  	p1 =	slt.u32 s9, $0xF7A;
	s5 =	simm.s32 @!p2 $0x0  }
0x1d: {  	s5 =	simm.s32 @p1 $0x1;
	p0 =	seq.s32 s7, s2  }
0x1e: {  	s7 =	smul.u32 @!p0 $0xF7A, s2;
	p2 =	seq.s32 @!p0 s5, $0x0  }
0x1f: {  	s9 =	smul.u32 $0xF7A, s1;
	s8 =	simm.s32 @!p0 $0x1BF5;
	p2 =	por !p2, p0  }
0x20: {  	[sflag:s8] =	ssyncset.s32 @!p0 $0xFFFFF086;
	s6 =	sadd.s32 @!p0 s3, s7;
	s7 =	simm.s32 @!p0 $0x108  }
0x21: {  	s3 =	sadd.s32 s3, s9;
	s6 =	sadd.s32 @!p0 $0x88, s6;
	s7 =	simm.s32 @p2 $0x1082  }
0x22: {  	[simem:s7], [sflag:s8] =	dma.local @!p0 [hbm:s6], $0xF7A  }
0x23: {  	s9 =	sor.u32 $0xD0000000, s2;
	s6 =	simm.s32 $0x108;
	_ =	swait.ge @!p0 [sflag:s8], $0x0  }
0x24: {  	s3 =	sadd.s32 $0x88, s3;
	s6 =	simm.s32 @!p1 $0x1082;
	[sflag:s4] =	ssyncset.s32 $0xFFFFF086  }
0x25: {  	[simem:s6], [sflag:s4] =	dma.local [hbm:s3], $0xF7A  }
0x26: {  	[smem:$0x3F9E] =	sst s1;
	(tag) =	ssettag s2;
	_ =	strace s9  }
0x27: {  	s1 =	sld [smem:$0x3FAE]  }
0x28: {  	s2 =	sld [smem:$0x3FAF]  }
0x29: {  	s4 =	sld [smem:$0x3FB1]  }
0x2a: {  	p0 =	seq.s32 s5, $0x0;
	s5 =	sld [smem:$0x3FB2]  }
0x2b: {  	s6 =	sld [smem:$0x3FB3]  }
0x2c: {  	s7 =	sld [smem:$0x3FB4]  }
0x2d: {  	s3 =	simm.s32 $0x108;
	s8 =	sld [smem:$0x3FB5]  }
0x2e: {  	s3 =	simm.s32 @!p0 $0x1082;
	s9 =	sld [smem:$0x3FB6]  }
0x2f: {  	lr =	sadd.s32 s0, s3;
	s0 =	sld [smem:$0x3FAD]  }
0x30: {  	s3 =	sld [smem:$0x3FB0]  }
0x31: {  	[smem:$0x3FB9] =	sst s10  }
0x32: {  	s10 =	sld [smem:$0x3FB7];
	_ =	sdelay $0x3  }
0x33: {  	p0 =	seq.s32 s10, $0x1;
	s10 =	sld [smem:$0x3FB9];
	_ =	sdelay $0x3  }
0x34: {  	[smem:$0x3FB9] =	sst s10  }
0x35: {  	s10 =	sld [smem:$0x3FB8];
	_ =	sdelay $0x3  }
0x36: {  	p1 =	seq.s32 s10, $0x1;
	s10 =	sld [smem:$0x3FB9];
	_ =	sdelay $0x3  }
0x37: {  	[smem:$0x3FB9] =	sst s10  }
0x38: {  	s10 =	sld [smem:$0x3FBA]  }
0x39: {  	_ = 	snop;
	(pc) =	sbr.ind lr, $3  }
0x3a: {  	_ = 	snop  }
0x3b: {  	_ = 	snop  }
0x3c: {  	p2 =	seq.s32 s10, $0x1;
	s10 =	sld [smem:$0x3FB9]  }
0x3d: {  	_ =	shalt  }
0x3e: {  	_ =	shalt  }
0x3f: {  	_ =	shalt  }
0x40: {  	_ =	shalt  }
0x41: {  	_ =	shalt  }
0x42: {  	_ =	shalt  }
0x43: {  	_ =	shalt  }
0x44: {  	_ =	shalt  }
0x45: {  	_ =	shalt  }
0x46: {  	_ =	shalt  }
0x47: {  	_ =	shalt  }
0x48: {  	_ =	shalt  }
0x49: {  	_ =	shalt  }
0x4a: {  	_ =	shalt  }
0x4b: {  	_ =	shalt  }
0x4c: {  	_ =	shalt  }
0x4d: {  	_ =	shalt  }
0x4e: {  	_ =	shalt  }
0x4f: {  	_ =	shalt  }
0x50: {  	_ =	shalt  }
0x51: {  	_ =	shalt  }
0x52: {  	_ =	shalt  }
0x53: {  	_ =	shalt  }
0x54: {  	_ =	shalt  }
0x55: {  	_ =	shalt  }
0x56: {  	_ =	shalt  }
0x57: {  	_ =	shalt  }
0x58: {  	_ =	shalt  }
0x59: {  	_ =	shalt  }
0x5a: {  	_ =	shalt  }
0x5b: {  	_ =	shalt  }
0x5c: {  	_ =	shalt  }
0x5d: {  	_ =	shalt  }
0x5e: {  	_ =	shalt  }
0x5f: {  	_ =	shalt  }
0x60: {  	_ =	shalt  }
0x61: {  	_ =	shalt  }
0x62: {  	_ =	shalt  }
0x63: {  	_ =	shalt  }
0x64: {  	_ =	shalt  }
0x65: {  	_ =	shalt  }
0x66: {  	_ =	shalt  }
0x67: {  	_ =	shalt  }
0x68: {  	_ =	shalt  }
0x69: {  	_ =	shalt  }
0x6a: {  	_ =	shalt  }
0x6b: {  	_ =	shalt  }
0x6c: {  	_ =	shalt  }
0x6d: {  	_ =	shalt  }
0x6e: {  	_ =	shalt  }
0x6f: {  	_ =	shalt  }
0x70: {  	_ =	shalt  }
0x71: {  	_ =	shalt  }
0x72: {  	_ =	shalt  }
0x73: {  	_ =	shalt  }
0x74: {  	_ =	shalt  }
0x75: {  	_ =	shalt  }
0x76: {  	_ =	shalt  }
0x77: {  	_ =	shalt  }
0x78: {  	_ =	shalt  }
0x79: {  	_ =	shalt  }
0x7a: {  	_ =	shalt  }
0x7b: {  	_ =	shalt  }
0x7c: {  	_ =	shalt  }
0x7d: {  	_ =	shalt  }
0x7e: {  	_ =	shalt  }
0x7f: {  	_ =	shalt  }
0x80: {  	_ =	shalt  }
0x81: {  	_ =	shalt  }
0x82: {  	_ =	shalt  }
0x83: {  	_ =	shalt  }
0x84: {  	_ =	shalt  }
0x85: {  	_ =	shalt  }
0x86: {  	_ =	shalt  }
0x87: {  	_ =	shalt  }
.Lfunc_end0:
.L_simem_size_0:
called_computation_lowered:
.L_overlay_start_0:
0x88: {  	s2 =	sld [smem:$0x3FD9]  }
0x89: {  	s3 =	sld [smem:$0x3FFE];
	_ =	sdelay $0x1  }
0x8a: {  	s1 =	srdreg.scid  }
0x8b: {  	s0 =	sand.u32 $0x1, s1  }
0x8c: {  	s17 =	sshll.u32 s0, $0xA;
	s2 =	sadd.s32 s3, s2  }
0x8d: {  	s2 =	sadd.s32 s2, s17  }
0x8e: {  	[smem:$0x3FC5] =	sst s2  }
0x8f: {  	_ = 	snop  }
0x90: {  	s2 =	sld [smem:$0x3FD0];
	(tm) =	ssettm $0x1  }
0x91: {  	s18 =	sld [smem:$0x3FFB];
	_ =	sdelay $0x3  }
0x92: {  	_ =	strace s18  }
0x93: {  	s3 =	sld [smem:$0x3FFC];
	_ =	sdelay $0x3  }
0x94: {  	_ =	strace s3  }
0x95: {  	s3 =	sld [smem:$0x3FFD];
	_ =	sdelay $0x3  }
0x96: {  	_ =	strace s3  }
0x97: {  	_ =	strace $0x8FFFFFFF  }
0x98: {  	s19 =	sld [smem:$0x3FDB];
	_ =	sdelay $0x1  }
0x99: {  	s4 =	simm.s32 $_scs_section_size  }
0x9a: {  	s5 =	simm.s32 $_size__tile_overlayer_lowered;
	s6 =	simm.s32 $_tile_overlayer_lowered  }
0x9b: {  	s22 =	simm.s32 $0x1BFF;
	s21 =	sshll.u32 s6, $0x1;
	s3 =	sadd.s32 s4, s19  }
0x9c: {  	s7 =	simm.s32 $0x0;
	s20 =	sshll.u32 s5, $0x1;
	s5 =	sadd.s32 s21, s3  }
0x9d: {  	[timem:s7], [sflag:s22] =	dma.local [hbm:s5], s20  }
0x9e: {  	_ =	swait.ge [sflag:s22], s20  }
0x9f: {  	s4 =	ssub.s32 $0x0, s20;
	[sflag:s22] =	ssyncset.done $0x0  }
0xa0: {  	[sflag:s22] =	ssyncadd.s32 s4;
	_ =	sdelay $0x1  }
0xa1: {  	s23 =	simm.s32 $0x1B8B  }
0xa2: {  	_ =	swait.ge [sflag:s23], $0x1  }
0xa3: {  	[sflag:s23] =	ssyncset.done $0x0  }
0xa4: {  	s25 =	simm.s32 $0x1B8E;
	s24 =	sld [smem:$0x3FFE];
	[sflag:s23] =	ssyncadd.s32 $0xFFFFFFFF  }
0xa5: {  	s26 =	simm.s32 $execute0_lowered;
	[smem:$0x3FD2] =	sst s25  }
0xa6: {  	s5 =	sshll.u32 s26, $0x1;
	_ =	strace $0x80000046;
	[dreg:$0x1] =	wrdreg $0xFFFFFFFF  }
0xa7: {  	s28 =	simm.s32 $_size_execute0_lowered;
	s3 =	sadd.s32 s3, s5;
	[dreg:$0x0] =	wrdreg $0x0  }
0xa8: {  	s5 =	sshll.u32 s28, $0x1;
	[dreg:$0x2] =	wrdreg s3  }
0xa9: {  	[dreg:$0x3] =	wrdreg s5  }
0xaa: {  	[dreg:$0x4] =	wrdreg $0xC0  }
0xab: {  	_ =	task [dreg:s7], $0x5FFFF  }
0xac: {  	[dreg:$0x1] =	wrdreg $0xFFFFFFFF  }
0xad: {  	[dreg:$0x0] =	wrdreg $0x60  }
0xae: {  	[dreg:$0x2] =	wrdreg s24  }
0xaf: {  	[dreg:$0x3] =	wrdreg s2  }
0xb0: {  	[dreg:$0x4] =	wrdreg $0x9  }
0xb1: {  	_ =	task.clear_ibuf [dreg:s7], $0x5FFFF;
	_ =	strace $0x90000046  }
0xb2: {  	s29 =	simm.s32 $0x9;
	_ =	strace $0x80000048  }
0xb3: {  	_ =	swait.ge [sflag:s29], $0x1  }
0xb4: {  	[sflag:s29] =	ssyncadd.s32 $0xFFFFFFFF  }
0xb5: {  	_ =	strace $0x90000048  }
0xb6: {  	_ =	sfence  }
0xb7: {  	s30 =	sld [smem:$0x0];
	_ =	sdelay $0x2  }
0xb8: {  	s31 =	sshll.u32 s1, $0xD;
	s1 =	sshrl.u32 s1, $0x2  }
0xb9: {  	s3 =	sand.u32 $0x4000, s31;
	s1 =	sadd.s32 s1, s30  }
0xba: {  	s0 =	sor.u32 s3, s0;
	s1 =	sshll.u32 s1, $0x11  }
0xbb: {  	s0 =	sor.u32 s1, s0  }
0xbc: {  	s0 =	sadd.s32 $0x8F2B, s0  }
0xbd: {  	[sflag:s0] =	ssyncadd.remote.s32 $0x1  }
0xbe: {  	_ =	sfence.sel $0xFFFF  }
0xbf: {  	[dreg:$0x0] =	wrdreg $0xFFFFFFFF;
	(pc) =	sbr.abs _section_cstart, $3  }
0xc0: {  	[dreg:$0x1] =	wrdreg $0xFFFFFFFF  }
0xc1: {  	_ =	task.clear_ibuf [dreg:s7], $0x2FFFF;
	_ =	strace $0x9FFFFFFF  }
0xc2: {  	(tm) =	ssettm $0x7FFFFFFF  }
0xc3: {  	_ =	shalt  }
tec
execute0_lowered:
.L_overlay_start_1:
0x0: {  	(tag) =	ssettag $0x1  }
0x1: {  	s5 =	rddreg [dreg:$0x0];
	s1 =	srdreg.scid  }
0x2: {  	s0 =	stileid.u32;
	s7 =	rddreg [dreg:$0x1];
	s10 =	simm.s32 $0x400  }
0x3: {  	s11 =	simm.s32 $0x4000;
	s12 =	simm.s32 $0x1;
	s13 =	simm.s32 $0x8000  }
0x4: {  	s14 =	simm.s32 $0x2;
	s15 =	simm.s32 $0x80;
	s16 =	simm.s32 $0x3  }
0x5: {  	s4 =	sand.u32 $0x1, s1;
	s2 =	sshll.u32 s0, $0x1;
	s1 =	rddreg [dreg:$0x2]  }
0x6: {  	s6 =	sor.u32 s4, s2;
	s2 =	simm.s32 $0x0;
	s4 =	ssub.s32 $0x2, s4  }
0x7: {  	s3 =	sshll.u32 s6, $0x10;
	s6 =	sshll.u32 s6, $0x7;
	[smem:$0x7FF] =	sst s2  }
0x8: {  	s8 =	sshrl.u32 s4, $0x1;
	s6 =	sor.u32 s6, s3;
	_ =	strace $0x80000047  }
0x9: {  	s8 =	ssub.s32 s4, s8;
	s4 =	sadd.s32 s5, s3;
	s6 =	sand.u32 $0x180380, s6  }
0xa: {  	s5 =	sadd.s32 $0x40, s5;
	s8 =	smax.u32 s8, $0x1;
	s9 =	sshrl.u32 s6, $0x3  }
0xb: {  	v0 =	vimm.s32 $0x0;
	v1 =	vimm.s32 $0x1;
	s6 =	sadd.s32 $0x1000, s4;
	s7 =	sadd.s32 s7, s9;
	s9 =	simm.s32 $0x200  }
.LBB2_1:
0xc: {  	s17 =	simm.s32 $0x8040  }
0xd: {  	[tilespmem:s17+$0xFFFFFFC0] =	vst v0  }
0xe: {  	[tilespmem:s17+$0x30] =	vst v0  }
0xf: {  	[tilespmem:s17+$0x20] =	vst v0  }
0x10: {  	[tilespmem:s17+$0x10] =	vst v0  }
0x11: {  	[tilespmem:s17+$0x0] =	vst v0  }
0x12: {  	[tilespmem:s17+$0xFFFFFFF0] =	vst v0  }
0x13: {  	s18 =	simm.s32 $0x0;
	[tilespmem:s17+$0xFFFFFFE0] =	vst v0  }
.LBB2_2:
0x14: {  	s18 =	sadd.s32 $0x80, s18;
	[tilespmem:s17+$0xFFFFFFD0] =	vst v0;
	s17 =	sadd.s32 $0x80, s17  }
0x15: {  	[tilespmem:s17+$0xFFFFFFC0] =	vst v0;
	p0 =	slt.u32 s18, $0xFF80  }
0x16: {  	[tilespmem:s17+$0x30] =	vst v0  }
.Ltmp0:
0x17: {  	[tilespmem:s17+$0x20] =	vst v0;
	(pc) =	sbr.rel @p0 .LBB2_2-.Ltmp0, $4  }
0x18: {  	[tilespmem:s17+$0x10] =	vst v0  }
0x19: {  	[tilespmem:s17+$0x0] =	vst v0  }
0x1a: {  	[tilespmem:s17+$0xFFFFFFF0] =	vst v0  }
0x1b: {  	[tilespmem:s17+$0xFFFFFFE0] =	vst v0  }
0x1c: {  	[tilespmem:s17+$0xFFFFFFD0] =	vst v0;
	s17 =	simm.s32 $0x0  }
0x1d: {  	[tilespmem:s17], [sflag:$0x1] =	stream.strided.gather [hbm4b:s4+s9], $0x4000, s10, s9, $0x38;
	[tilespmem:$0x18000] =	vst v63  }
.LBB2_4:
0x1e: {  	s18 =	sshll.u32 s17, $0xC  }
0x1f: {  	s19 =	sor.u32 s18, s3  }
0x20: {  	s20 =	sadd.s32 s19, s5;
	s19 =	simm.s32 $0x200  }
0x21: {  	[tilespmem:s11], [sflag:$0x2] =	stream.strided.gather [hbm4b:s20+s19], $0x4000, s10, s19, $0x38;
	[tilespmem:$0x18000] =	vst v63  }
0x22: {  	_ =	swait.ge [sflag:s12], $0x4000  }
0x23: {  	[sflag:s12] =	ssyncset.done $0x0  }
0x24: {  	[sflag:s12] =	ssyncadd.s32 $0xFFFFC000  }
0x25: {  	v2 =	vld [tilespmem:s19+$0x10]  }
0x26: {  	v3 =	vld [tilespmem:s19+$0x0]  }
0x27: {  	v4 =	vld [tilespmem:s19+$0xFFFFFE00]  }
0x28: {  	v5 =	vld [tilespmem:s19+$0x70]  }
0x29: {  	v6 =	vld [tilespmem:s19+$0xFFFFFE20]  }
0x2a: {  	v7 =	vld [tilespmem:s19+$0xFFFFFE30]  }
0x2b: {  	v8 =	vld [tilespmem:s19+$0xFFFFFE40]  }
0x2c: {  	v10 =	vld [tilespmem:s19+$0x50]  }
0x2d: {  	v11 =	vld [tilespmem:s19+$0x40];
	v4 =	vshrl.u32 v4, $0x10  }
0x2e: {  	v9 =	vld [tilespmem:s19+$0x60];
	v5 =	vshrl.u32 v5, $0x10  }
0x2f: {  	v12 =	vld [tilespmem:s19+$0x30]  }
0x30: {  	v13 =	vld [tilespmem:s19+$0x20]  }
0x31: {  	v14 =	vld [tilespmem:s19+$0xFFFFFE50];
	v59 =	vshrl.u32 v10, $0x10  }
0x32: {  	v60 =	vshrl.u32 v11, $0x10;
	[tilespmem:v4+s13+$0x0] =	vst.idx.add.s32.msk $0xffff, v1  }
0x33: {  	v4 =	vshrl.u32 v9, $0x10;
	[tilespmem:v5+s13+$0x0] =	vst.idx.add.s32.msk $0xffff, v1  }
0x34: {  	v5 =	vld [tilespmem:s19+$0xFFFFFE70]  }
0x35: {  	v61 =	vld [tilespmem:s19+$0xFFFFFE60];
	v2 =	vshrl.u32 v2, $0x10  }
0x36: {  	v13 =	vshrl.u32 v13, $0x10;
	[tilespmem:v59+s13+$0x0] =	vst.idx.add.s32.msk $0xffff, v1  }
0x37: {  	v3 =	vshrl.u32 v3, $0x10;
	[tilespmem:v60+s13+$0x0] =	vst.idx.add.s32.msk $0xffff, v1  }
0x38: {  	v62 =	vshrl.u32 v12, $0x10;
	[tilespmem:v4+s13+$0x0] =	vst.idx.add.s32.msk $0xffff, v1  }
0x39: {  	v63 =	vshrl.u32 v14, $0x10;
	v4 =	vshrl.u32 v5, $0x10;
	v5 =	vld [tilespmem:s19+$0xFFFFFE10]  }
0x3a: {  	[tilespmem:v2+s13+$0x0] =	vst.idx.add.s32.msk $0xffff, v1;
	v2 =	vshrl.u32 v7, $0x10  }
0x3b: {  	v8 =	vshrl.u32 v8, $0x10;
	[tilespmem:v13+s13+$0x0] =	vst.idx.add.s32.msk $0xffff, v1  }
0x3c: {  	v6 =	vshrl.u32 v6, $0x10;
	[tilespmem:v3+s13+$0x0] =	vst.idx.add.s32.msk $0xffff, v1  }
0x3d: {  	[tilespmem:v62+s13+$0x0] =	vst.idx.add.s32.msk $0xffff, v1  }
0x3e: {  	[tilespmem:v63+s13+$0x0] =	vst.idx.add.s32.msk $0xffff, v1;
	v3 =	vshrl.u32 v5, $0x10  }
0x3f: {  	[tilespmem:v2+s13+$0x0] =	vst.idx.add.s32.msk $0xffff, v1;
	v2 =	vshrl.u32 v61, $0x10  }
0x40: {  	[tilespmem:v8+s13+$0x0] =	vst.idx.add.s32.msk $0xffff, v1  }
0x41: {  	[tilespmem:v6+s13+$0x0] =	vst.idx.add.s32.msk $0xffff, v1  }
0x42: {  	s21 =	simm.s32 $0x0;
	[tilespmem:v4+s13+$0x0] =	vst.idx.add.s32.msk $0xffff, v1  }
.LBB2_5:
0x43: {  	s21 =	sadd.s32 $0x100, s21;
	[tilespmem:v3+s13+$0x0] =	vst.idx.add.s32.msk $0xffff, v1;
	s19 =	sadd.s32 $0x400, s19;
	s20 =	simm.s32 $0x280  }
0x44: {  	p0 =	slt.u32 s21, $0xF00;
	[tilespmem:v2+s13+$0x0] =	vst.idx.add.s32.msk $0xffff, v1  }
0x45: {  	v2 =	vld [tilespmem:s19+$0x10]  }
0x46: {  	v3 =	vld [tilespmem:s19+$0x0]  }
0x47: {  	v4 =	vld [tilespmem:s19+$0xFFFFFE00]  }
0x48: {  	v5 =	vld [tilespmem:s19+$0x70]  }
0x49: {  	v6 =	vld [tilespmem:s19+$0xFFFFFE20]  }
0x4a: {  	v7 =	vld [tilespmem:s19+$0xFFFFFE30]  }
0x4b: {  	v8 =	vld [tilespmem:s19+$0xFFFFFE40]  }
0x4c: {  	v4 =	vshrl.u32 v4, $0x10;
	v9 =	vld [tilespmem:s19+$0x60]  }
0x4d: {  	v10 =	vld [tilespmem:s19+$0x50];
	v5 =	vshrl.u32 v5, $0x10  }
0x4e: {  	v11 =	vld [tilespmem:s19+$0x40]  }
0x4f: {  	v12 =	vld [tilespmem:s19+$0x30]  }
0x50: {  	v13 =	vld [tilespmem:s19+$0x20]  }
0x51: {  	[tilespmem:v4+s13+$0x0] =	vst.idx.add.s32.msk $0xffff, v1;
	v4 =	vshrl.u32 v9, $0x10  }
0x52: {  	v9 =	vshrl.u32 v10, $0x10;
	[tilespmem:v5+s13+$0x0] =	vst.idx.add.s32.msk $0xffff, v1  }
0x53: {  	v5 =	vld [tilespmem:s19+$0xFFFFFE70];
	v10 =	vshrl.u32 v11, $0x10  }
0x54: {  	v11 =	vld [tilespmem:s19+$0xFFFFFE60]  }
0x55: {  	v14 =	vld [tilespmem:s19+$0xFFFFFE50];
	v13 =	vshrl.u32 v13, $0x10  }
0x56: {  	v15 =	vshrl.u32 v2, $0x10;
	[tilespmem:v4+s13+$0x0] =	vst.idx.add.s32.msk $0xffff, v1  }
0x57: {  	v3 =	vshrl.u32 v3, $0x10;
	[tilespmem:v9+s13+$0x0] =	vst.idx.add.s32.msk $0xffff, v1  }
0x58: {  	v4 =	vshrl.u32 v5, $0x10;
	[tilespmem:v10+s13+$0x0] =	vst.idx.add.s32.msk $0xffff, v1  }
0x59: {  	v9 =	vshrl.u32 v12, $0x10;
	v5 =	vld [tilespmem:s19+$0xFFFFFE10];
	v2 =	vshrl.u32 v11, $0x10  }
0x5a: {  	v10 =	vshrl.u32 v14, $0x10;
	[tilespmem:v13+s13+$0x0] =	vst.idx.add.s32.msk $0xffff, v1  }
0x5b: {  	v8 =	vshrl.u32 v8, $0x10;
	[tilespmem:v15+s13+$0x0] =	vst.idx.add.s32.msk $0xffff, v1  }
0x5c: {  	v7 =	vshrl.u32 v7, $0x10;
	[tilespmem:v3+s13+$0x0] =	vst.idx.add.s32.msk $0xffff, v1  }
0x5d: {  	v6 =	vshrl.u32 v6, $0x10;
	[tilespmem:v4+s13+$0x0] =	vst.idx.add.s32.msk $0xffff, v1  }
.Ltmp1:
0x5e: {  	v3 =	vshrl.u32 v5, $0x10;
	[tilespmem:v9+s13+$0x0] =	vst.idx.add.s32.msk $0xffff, v1;
	(pc) =	sbr.rel @p0 .LBB2_5-.Ltmp1, $4  }
0x5f: {  	[tilespmem:v10+s13+$0x0] =	vst.idx.add.s32.msk $0xffff, v1  }
0x60: {  	[tilespmem:v8+s13+$0x0] =	vst.idx.add.s32.msk $0xffff, v1  }
0x61: {  	[tilespmem:v7+s13+$0x0] =	vst.idx.add.s32.msk $0xffff, v1  }
0x62: {  	[tilespmem:v6+s13+$0x0] =	vst.idx.add.s32.msk $0xffff, v1  }
0x63: {  	_ =	sdelay $0x3  }
0x64: {  	[tilespmem:v3+s13+$0x0] =	vst.idx.add.s32.msk $0xffff, v1  }
0x65: {  	[tilespmem:v2+s13+$0x0] =	vst.idx.add.s32.msk $0xffff, v1  }
0x66: {  	v2 =	vld [tilespmem:s20+$0x10]  }
0x67: {  	v3 =	vld [tilespmem:s20+$0x20]  }
0x68: {  	v4 =	vld [tilespmem:s20+$0xFFFFFE00]  }
0x69: {  	v5 =	vld [tilespmem:s20+$0x70]  }
0x6a: {  	v6 =	vld [tilespmem:s20+$0xFFFFFE10]  }
0x6b: {  	v7 =	vld [tilespmem:s20+$0xFFFFFE20]  }
0x6c: {  	v8 =	vld [tilespmem:s20+$0xFFFFFE30]  }
0x6d: {  	v9 =	vld [tilespmem:s20+$0xFFFFFE40]  }
0x6e: {  	v10 =	vld [tilespmem:s20+$0x60]  }
0x6f: {  	v11 =	vld [tilespmem:s20+$0x50]  }
0x70: {  	v12 =	vld [tilespmem:s20+$0x40]  }
0x71: {  	v13 =	vld [tilespmem:s20+$0x30];
	v4 =	vshrl.u32 v4, $0x10  }
0x72: {  	v56 =	vld [tilespmem:s20+$0x0];
	v5 =	vshrl.u32 v5, $0x10  }
0x73: {  	v58 =	vld [tilespmem:s20+$0xFFFFFE70];
	v55 =	vshrl.u32 v10, $0x10  }
0x74: {  	v14 =	vld [tilespmem:s20+$0xFFFFFE60];
	v57 =	vshrl.u32 v11, $0x10  }
0x75: {  	v15 =	vld [tilespmem:s20+$0xFFFFFE50];
	v12 =	vshrl.u32 v12, $0x10  }
0x76: {  	v2 =	vshrl.u32 v2, $0x10;
	[tilespmem:v4+s13+$0x0] =	vst.idx.add.s32.msk $0xffff, v1  }
0x77: {  	v13 =	vshrl.u32 v13, $0x10;
	[tilespmem:v5+s13+$0x0] =	vst.idx.add.s32.msk $0xffff, v1  }
0x78: {  	v3 =	vshrl.u32 v3, $0x10;
	[tilespmem:v55+s13+$0x0] =	vst.idx.add.s32.msk $0xffff, v1  }
0x79: {  	v59 =	vshrl.u32 v56, $0x10;
	[tilespmem:v57+s13+$0x0] =	vst.idx.add.s32.msk $0xffff, v1  }
0x7a: {  	v60 =	vshrl.u32 v58, $0x10;
	[tilespmem:v12+s13+$0x0] =	vst.idx.add.s32.msk $0xffff, v1  }
0x7b: {  	[tilespmem:v2+s13+$0x0] =	vst.idx.add.s32.msk $0xffff, v1;
	v2 =	vshrl.u32 v8, $0x10  }
0x7c: {  	v61 =	vshrl.u32 v14, $0x10;
	[tilespmem:v13+s13+$0x0] =	vst.idx.add.s32.msk $0xffff, v1  }
0x7d: {  	v62 =	vshrl.u32 v15, $0x10;
	[tilespmem:v3+s13+$0x0] =	vst.idx.add.s32.msk $0xffff, v1  }
0x7e: {  	v63 =	vshrl.u32 v7, $0x10;
	[tilespmem:v59+s13+$0x0] =	vst.idx.add.s32.msk $0xffff, v1  }
0x7f: {  	v3 =	vshrl.u32 v9, $0x10;
	[tilespmem:v60+s13+$0x0] =	vst.idx.add.s32.msk $0xffff, v1  }
0x80: {  	[tilespmem:v2+s13+$0x0] =	vst.idx.add.s32.msk $0xffff, v1;
	v2 =	vshrl.u32 v6, $0x10  }
0x81: {  	[tilespmem:v61+s13+$0x0] =	vst.idx.add.s32.msk $0xffff, v1  }
0x82: {  	[tilespmem:v62+s13+$0x0] =	vst.idx.add.s32.msk $0xffff, v1  }
0x83: {  	[tilespmem:v63+s13+$0x0] =	vst.idx.add.s32.msk $0xffff, v1  }
0x84: {  	s21 =	simm.s32 $0x0;
	s19 =	simm.s32 $0x300;
	[tilespmem:v3+s13+$0x0] =	vst.idx.add.s32.msk $0xffff, v1  }
.LBB2_7:
0x85: {  	s21 =	sadd.s32 $0x100, s21;
	[tilespmem:v2+s13+$0x0] =	vst.idx.add.s32.msk $0xffff, v1;
	s20 =	sadd.s32 $0x400, s20  }
0x86: {  	v2 =	vld [tilespmem:s20+$0x10];
	p0 =	slt.u32 s21, $0xF00  }
0x87: {  	v3 =	vld [tilespmem:s20+$0x20]  }
0x88: {  	v4 =	vld [tilespmem:s20+$0xFFFFFE00]  }
0x89: {  	v5 =	vld [tilespmem:s20+$0x70]  }
0x8a: {  	v6 =	vld [tilespmem:s20+$0xFFFFFE10]  }
0x8b: {  	v7 =	vld [tilespmem:s20+$0xFFFFFE20]  }
0x8c: {  	v8 =	vld [tilespmem:s20+$0xFFFFFE30]  }
0x8d: {  	v4 =	vshrl.u32 v4, $0x10;
	v9 =	vld [tilespmem:s20+$0xFFFFFE40]  }
0x8e: {  	v10 =	vld [tilespmem:s20+$0x60];
	v5 =	vshrl.u32 v5, $0x10  }
0x8f: {  	v11 =	vld [tilespmem:s20+$0x50]  }
0x90: {  	v12 =	vld [tilespmem:s20+$0x40]  }
0x91: {  	v13 =	vld [tilespmem:s20+$0x30]  }
0x92: {  	[tilespmem:v4+s13+$0x0] =	vst.idx.add.s32.msk $0xffff, v1  }
0x93: {  	v4 =	vshrl.u32 v10, $0x10;
	[tilespmem:v5+s13+$0x0] =	vst.idx.add.s32.msk $0xffff, v1  }
0x94: {  	v5 =	vld [tilespmem:s20+$0x0];
	v10 =	vshrl.u32 v11, $0x10  }
0x95: {  	v11 =	vld [tilespmem:s20+$0xFFFFFE70];
	v12 =	vshrl.u32 v12, $0x10  }
0x96: {  	v14 =	vld [tilespmem:s20+$0xFFFFFE60];
	v13 =	vshrl.u32 v13, $0x10  }
0x97: {  	v3 =	vshrl.u32 v3, $0x10;
	v15 =	vld [tilespmem:s20+$0xFFFFFE50]  }
0x98: {  	v2 =	vshrl.u32 v2, $0x10;
	[tilespmem:v4+s13+$0x0] =	vst.idx.add.s32.msk $0xffff, v1  }
0x99: {  	v4 =	vshrl.u32 v5, $0x10;
	[tilespmem:v10+s13+$0x0] =	vst.idx.add.s32.msk $0xffff, v1  }
0x9a: {  	v5 =	vshrl.u32 v11, $0x10;
	[tilespmem:v12+s13+$0x0] =	vst.idx.add.s32.msk $0xffff, v1  }
0x9b: {  	v10 =	vshrl.u32 v14, $0x10;
	[tilespmem:v13+s13+$0x0] =	vst.idx.add.s32.msk $0xffff, v1  }
0x9c: {  	v11 =	vshrl.u32 v15, $0x10;
	[tilespmem:v3+s13+$0x0] =	vst.idx.add.s32.msk $0xffff, v1  }
0x9d: {  	v3 =	vshrl.u32 v9, $0x10;
	[tilespmem:v2+s13+$0x0] =	vst.idx.add.s32.msk $0xffff, v1  }
0x9e: {  	v8 =	vshrl.u32 v8, $0x10;
	[tilespmem:v4+s13+$0x0] =	vst.idx.add.s32.msk $0xffff, v1  }
0x9f: {  	v4 =	vshrl.u32 v7, $0x10;
	[tilespmem:v5+s13+$0x0] =	vst.idx.add.s32.msk $0xffff, v1  }
.Ltmp2:
0xa0: {  	v2 =	vshrl.u32 v6, $0x10;
	[tilespmem:v10+s13+$0x0] =	vst.idx.add.s32.msk $0xffff, v1;
	(pc) =	sbr.rel @p0 .LBB2_7-.Ltmp2, $4  }
0xa1: {  	[tilespmem:v11+s13+$0x0] =	vst.idx.add.s32.msk $0xffff, v1  }
0xa2: {  	[tilespmem:v3+s13+$0x0] =	vst.idx.add.s32.msk $0xffff, v1  }
0xa3: {  	[tilespmem:v8+s13+$0x0] =	vst.idx.add.s32.msk $0xffff, v1  }
0xa4: {  	[tilespmem:v4+s13+$0x0] =	vst.idx.add.s32.msk $0xffff, v1  }
0xa5: {  	_ =	sdelay $0x3  }
0xa6: {  	[tilespmem:v2+s13+$0x0] =	vst.idx.add.s32.msk $0xffff, v1  }
0xa7: {  	v2 =	vld [tilespmem:s19+$0x10]  }
0xa8: {  	v3 =	vld [tilespmem:s19+$0x0]  }
0xa9: {  	v4 =	vld [tilespmem:s19+$0xFFFFFE00]  }
0xaa: {  	v5 =	vld [tilespmem:s19+$0x70]  }
0xab: {  	v6 =	vld [tilespmem:s19+$0xFFFFFE20]  }
0xac: {  	v7 =	vld [tilespmem:s19+$0xFFFFFE30]  }
0xad: {  	v8 =	vld [tilespmem:s19+$0xFFFFFE40]  }
0xae: {  	v10 =	vld [tilespmem:s19+$0x50]  }
0xaf: {  	v11 =	vld [tilespmem:s19+$0x40];
	v4 =	vshrl.u32 v4, $0x10  }
0xb0: {  	v9 =	vld [tilespmem:s19+$0x60];
	v5 =	vshrl.u32 v5, $0x10  }
0xb1: {  	v12 =	vld [tilespmem:s19+$0x30]  }
0xb2: {  	v13 =	vld [tilespmem:s19+$0x20]  }
0xb3: {  	v14 =	vld [tilespmem:s19+$0xFFFFFE50];
	v59 =	vshrl.u32 v10, $0x10  }
0xb4: {  	v60 =	vshrl.u32 v11, $0x10;
	[tilespmem:v4+s13+$0x0] =	vst.idx.add.s32.msk $0xffff, v1  }
0xb5: {  	v4 =	vshrl.u32 v9, $0x10;
	[tilespmem:v5+s13+$0x0] =	vst.idx.add.s32.msk $0xffff, v1  }
0xb6: {  	v5 =	vld [tilespmem:s19+$0xFFFFFE70]  }
0xb7: {  	v61 =	vld [tilespmem:s19+$0xFFFFFE60];
	v2 =	vshrl.u32 v2, $0x10  }
0xb8: {  	v13 =	vshrl.u32 v13, $0x10;
	[tilespmem:v59+s13+$0x0] =	vst.idx.add.s32.msk $0xffff, v1  }
0xb9: {  	v3 =	vshrl.u32 v3, $0x10;
	[tilespmem:v60+s13+$0x0] =	vst.idx.add.s32.msk $0xffff, v1  }
0xba: {  	v62 =	vshrl.u32 v12, $0x10;
	[tilespmem:v4+s13+$0x0] =	vst.idx.add.s32.msk $0xffff, v1  }
0xbb: {  	v63 =	vshrl.u32 v14, $0x10;
	v4 =	vshrl.u32 v5, $0x10;
	v5 =	vld [tilespmem:s19+$0xFFFFFE10]  }
0xbc: {  	[tilespmem:v2+s13+$0x0] =	vst.idx.add.s32.msk $0xffff, v1;
	v2 =	vshrl.u32 v7, $0x10  }
0xbd: {  	v8 =	vshrl.u32 v8, $0x10;
	[tilespmem:v13+s13+$0x0] =	vst.idx.add.s32.msk $0xffff, v1  }
0xbe: {  	v6 =	vshrl.u32 v6, $0x10;
	[tilespmem:v3+s13+$0x0] =	vst.idx.add.s32.msk $0xffff, v1  }
0xbf: {  	[tilespmem:v62+s13+$0x0] =	vst.idx.add.s32.msk $0xffff, v1  }
0xc0: {  	[tilespmem:v63+s13+$0x0] =	vst.idx.add.s32.msk $0xffff, v1;
	v3 =	vshrl.u32 v5, $0x10  }
0xc1: {  	[tilespmem:v2+s13+$0x0] =	vst.idx.add.s32.msk $0xffff, v1;
	v2 =	vshrl.u32 v61, $0x10  }
0xc2: {  	[tilespmem:v8+s13+$0x0] =	vst.idx.add.s32.msk $0xffff, v1  }
0xc3: {  	[tilespmem:v6+s13+$0x0] =	vst.idx.add.s32.msk $0xffff, v1  }
0xc4: {  	s21 =	simm.s32 $0x0;
	[tilespmem:v4+s13+$0x0] =	vst.idx.add.s32.msk $0xffff, v1  }
.LBB2_9:
0xc5: {  	s21 =	sadd.s32 $0x100, s21;
	[tilespmem:v3+s13+$0x0] =	vst.idx.add.s32.msk $0xffff, v1;
	s19 =	sadd.s32 $0x400, s19;
	s20 =	simm.s32 $0x380  }
0xc6: {  	p0 =	slt.u32 s21, $0xF00;
	[tilespmem:v2+s13+$0x0] =	vst.idx.add.s32.msk $0xffff, v1  }
0xc7: {  	v2 =	vld [tilespmem:s19+$0x10]  }
0xc8: {  	v3 =	vld [tilespmem:s19+$0x0]  }
0xc9: {  	v4 =	vld [tilespmem:s19+$0xFFFFFE00]  }
0xca: {  	v5 =	vld [tilespmem:s19+$0x70]  }
0xcb: {  	v6 =	vld [tilespmem:s19+$0xFFFFFE20]  }
0xcc: {  	v7 =	vld [tilespmem:s19+$0xFFFFFE30]  }
0xcd: {  	v8 =	vld [tilespmem:s19+$0xFFFFFE40]  }
0xce: {  	v4 =	vshrl.u32 v4, $0x10;
	v9 =	vld [tilespmem:s19+$0x60]  }
0xcf: {  	v10 =	vld [tilespmem:s19+$0x50];
	v5 =	vshrl.u32 v5, $0x10  }
0xd0: {  	v11 =	vld [tilespmem:s19+$0x40]  }
0xd1: {  	v12 =	vld [tilespmem:s19+$0x30]  }
0xd2: {  	v13 =	vld [tilespmem:s19+$0x20]  }
0xd3: {  	[tilespmem:v4+s13+$0x0] =	vst.idx.add.s32.msk $0xffff, v1;
	v4 =	vshrl.u32 v9, $0x10  }
0xd4: {  	v9 =	vshrl.u32 v10, $0x10;
	[tilespmem:v5+s13+$0x0] =	vst.idx.add.s32.msk $0xffff, v1  }
0xd5: {  	v5 =	vld [tilespmem:s19+$0xFFFFFE70];
	v10 =	vshrl.u32 v11, $0x10  }
0xd6: {  	v11 =	vld [tilespmem:s19+$0xFFFFFE60]  }
0xd7: {  	v14 =	vld [tilespmem:s19+$0xFFFFFE50];
	v13 =	vshrl.u32 v13, $0x10  }
0xd8: {  	v15 =	vshrl.u32 v2, $0x10;
	[tilespmem:v4+s13+$0x0] =	vst.idx.add.s32.msk $0xffff, v1  }
0xd9: {  	v3 =	vshrl.u32 v3, $0x10;
	[tilespmem:v9+s13+$0x0] =	vst.idx.add.s32.msk $0xffff, v1  }
0xda: {  	v4 =	vshrl.u32 v5, $0x10;
	[tilespmem:v10+s13+$0x0] =	vst.idx.add.s32.msk $0xffff, v1  }
0xdb: {  	v9 =	vshrl.u32 v12, $0x10;
	v5 =	vld [tilespmem:s19+$0xFFFFFE10];
	v2 =	vshrl.u32 v11, $0x10  }
0xdc: {  	v10 =	vshrl.u32 v14, $0x10;
	[tilespmem:v13+s13+$0x0] =	vst.idx.add.s32.msk $0xffff, v1  }
0xdd: {  	v8 =	vshrl.u32 v8, $0x10;
	[tilespmem:v15+s13+$0x0] =	vst.idx.add.s32.msk $0xffff, v1  }
0xde: {  	v7 =	vshrl.u32 v7, $0x10;
	[tilespmem:v3+s13+$0x0] =	vst.idx.add.s32.msk $0xffff, v1  }
0xdf: {  	v6 =	vshrl.u32 v6, $0x10;
	[tilespmem:v4+s13+$0x0] =	vst.idx.add.s32.msk $0xffff, v1  }
.Ltmp3:
0xe0: {  	v3 =	vshrl.u32 v5, $0x10;
	[tilespmem:v9+s13+$0x0] =	vst.idx.add.s32.msk $0xffff, v1;
	(pc) =	sbr.rel @p0 .LBB2_9-.Ltmp3, $4  }
0xe1: {  	[tilespmem:v10+s13+$0x0] =	vst.idx.add.s32.msk $0xffff, v1  }
0xe2: {  	[tilespmem:v8+s13+$0x0] =	vst.idx.add.s32.msk $0xffff, v1  }
0xe3: {  	[tilespmem:v7+s13+$0x0] =	vst.idx.add.s32.msk $0xffff, v1  }
0xe4: {  	[tilespmem:v6+s13+$0x0] =	vst.idx.add.s32.msk $0xffff, v1  }
0xe5: {  	_ =	sdelay $0x3  }
0xe6: {  	[tilespmem:v3+s13+$0x0] =	vst.idx.add.s32.msk $0xffff, v1  }
0xe7: {  	[tilespmem:v2+s13+$0x0] =	vst.idx.add.s32.msk $0xffff, v1  }
0xe8: {  	v2 =	vld [tilespmem:s20+$0x10]  }
0xe9: {  	v3 =	vld [tilespmem:s20+$0x0]  }
0xea: {  	v4 =	vld [tilespmem:s20+$0xFFFFFE00]  }
0xeb: {  	v5 =	vld [tilespmem:s20+$0x70]  }
0xec: {  	v6 =	vld [tilespmem:s20+$0xFFFFFE20]  }
0xed: {  	v7 =	vld [tilespmem:s20+$0xFFFFFE30]  }
0xee: {  	v8 =	vld [tilespmem:s20+$0xFFFFFE40]  }
0xef: {  	v10 =	vld [tilespmem:s20+$0x50]  }
0xf0: {  	v11 =	vld [tilespmem:s20+$0x40];
	v4 =	vshrl.u32 v4, $0x10  }
0xf1: {  	v9 =	vld [tilespmem:s20+$0x60];
	v5 =	vshrl.u32 v5, $0x10  }
0xf2: {  	v12 =	vld [tilespmem:s20+$0x30]  }
0xf3: {  	v13 =	vld [tilespmem:s20+$0x20]  }
0xf4: {  	v14 =	vld [tilespmem:s20+$0xFFFFFE50];
	v59 =	vshrl.u32 v10, $0x10  }
0xf5: {  	v60 =	vshrl.u32 v11, $0x10;
	[tilespmem:v4+s13+$0x0] =	vst.idx.add.s32.msk $0xffff, v1  }
0xf6: {  	v4 =	vshrl.u32 v9, $0x10;
	[tilespmem:v5+s13+$0x0] =	vst.idx.add.s32.msk $0xffff, v1  }
0xf7: {  	v5 =	vld [tilespmem:s20+$0xFFFFFE70]  }
0xf8: {  	v61 =	vld [tilespmem:s20+$0xFFFFFE60];
	v2 =	vshrl.u32 v2, $0x10  }
0xf9: {  	v13 =	vshrl.u32 v13, $0x10;
	[tilespmem:v59+s13+$0x0] =	vst.idx.add.s32.msk $0xffff, v1  }
0xfa: {  	v3 =	vshrl.u32 v3, $0x10;
	[tilespmem:v60+s13+$0x0] =	vst.idx.add.s32.msk $0xffff, v1  }
0xfb: {  	v62 =	vshrl.u32 v12, $0x10;
	[tilespmem:v4+s13+$0x0] =	vst.idx.add.s32.msk $0xffff, v1  }
0xfc: {  	v63 =	vshrl.u32 v14, $0x10;
	v4 =	vshrl.u32 v5, $0x10;
	v5 =	vld [tilespmem:s20+$0xFFFFFE10]  }
0xfd: {  	[tilespmem:v2+s13+$0x0] =	vst.idx.add.s32.msk $0xffff, v1;
	v2 =	vshrl.u32 v7, $0x10  }
0xfe: {  	v8 =	vshrl.u32 v8, $0x10;
	[tilespmem:v13+s13+$0x0] =	vst.idx.add.s32.msk $0xffff, v1  }
0xff: {  	v6 =	vshrl.u32 v6, $0x10;
	[tilespmem:v3+s13+$0x0] =	vst.idx.add.s32.msk $0xffff, v1  }
0x100: {  	[tilespmem:v62+s13+$0x0] =	vst.idx.add.s32.msk $0xffff, v1  }
0x101: {  	[tilespmem:v63+s13+$0x0] =	vst.idx.add.s32.msk $0xffff, v1;
	v3 =	vshrl.u32 v5, $0x10  }
0x102: {  	[tilespmem:v2+s13+$0x0] =	vst.idx.add.s32.msk $0xffff, v1;
	v2 =	vshrl.u32 v61, $0x10  }
0x103: {  	[tilespmem:v8+s13+$0x0] =	vst.idx.add.s32.msk $0xffff, v1  }
0x104: {  	[tilespmem:v6+s13+$0x0] =	vst.idx.add.s32.msk $0xffff, v1  }
0x105: {  	s19 =	simm.s32 $0x0;
	[tilespmem:v4+s13+$0x0] =	vst.idx.add.s32.msk $0xffff, v1  }
.LBB2_11:
0x106: {  	s19 =	sadd.s32 $0x100, s19;
	[tilespmem:v3+s13+$0x0] =	vst.idx.add.s32.msk $0xffff, v1;
	s20 =	sadd.s32 $0x400, s20  }
0x107: {  	p0 =	slt.u32 s19, $0xF00;
	[tilespmem:v2+s13+$0x0] =	vst.idx.add.s32.msk $0xffff, v1  }
0x108: {  	v2 =	vld [tilespmem:s20+$0x10]  }
0x109: {  	v3 =	vld [tilespmem:s20+$0x0]  }
0x10a: {  	v4 =	vld [tilespmem:s20+$0xFFFFFE00]  }
0x10b: {  	v5 =	vld [tilespmem:s20+$0x70]  }
0x10c: {  	v6 =	vld [tilespmem:s20+$0xFFFFFE20]  }
0x10d: {  	v7 =	vld [tilespmem:s20+$0xFFFFFE30]  }
0x10e: {  	v8 =	vld [tilespmem:s20+$0xFFFFFE40]  }
0x10f: {  	v4 =	vshrl.u32 v4, $0x10;
	v9 =	vld [tilespmem:s20+$0x60]  }
0x110: {  	v10 =	vld [tilespmem:s20+$0x50];
	v5 =	vshrl.u32 v5, $0x10  }
0x111: {  	v11 =	vld [tilespmem:s20+$0x40]  }
0x112: {  	v12 =	vld [tilespmem:s20+$0x30]  }
0x113: {  	v13 =	vld [tilespmem:s20+$0x20]  }
0x114: {  	[tilespmem:v4+s13+$0x0] =	vst.idx.add.s32.msk $0xffff, v1;
	v4 =	vshrl.u32 v9, $0x10  }
0x115: {  	v9 =	vshrl.u32 v10, $0x10;
	[tilespmem:v5+s13+$0x0] =	vst.idx.add.s32.msk $0xffff, v1  }
0x116: {  	v5 =	vld [tilespmem:s20+$0xFFFFFE70];
	v10 =	vshrl.u32 v11, $0x10  }
0x117: {  	v11 =	vld [tilespmem:s20+$0xFFFFFE60]  }
0x118: {  	v14 =	vld [tilespmem:s20+$0xFFFFFE50];
	v13 =	vshrl.u32 v13, $0x10  }
0x119: {  	v15 =	vshrl.u32 v2, $0x10;
	[tilespmem:v4+s13+$0x0] =	vst.idx.add.s32.msk $0xffff, v1  }
0x11a: {  	v3 =	vshrl.u32 v3, $0x10;
	[tilespmem:v9+s13+$0x0] =	vst.idx.add.s32.msk $0xffff, v1  }
0x11b: {  	v4 =	vshrl.u32 v5, $0x10;
	[tilespmem:v10+s13+$0x0] =	vst.idx.add.s32.msk $0xffff, v1  }
0x11c: {  	v9 =	vshrl.u32 v12, $0x10;
	v5 =	vld [tilespmem:s20+$0xFFFFFE10];
	v2 =	vshrl.u32 v11, $0x10  }
0x11d: {  	v10 =	vshrl.u32 v14, $0x10;
	[tilespmem:v13+s13+$0x0] =	vst.idx.add.s32.msk $0xffff, v1  }
0x11e: {  	v8 =	vshrl.u32 v8, $0x10;
	[tilespmem:v15+s13+$0x0] =	vst.idx.add.s32.msk $0xffff, v1  }
0x11f: {  	v7 =	vshrl.u32 v7, $0x10;
	[tilespmem:v3+s13+$0x0] =	vst.idx.add.s32.msk $0xffff, v1  }
0x120: {  	v6 =	vshrl.u32 v6, $0x10;
	[tilespmem:v4+s13+$0x0] =	vst.idx.add.s32.msk $0xffff, v1  }
.Ltmp4:
0x121: {  	v3 =	vshrl.u32 v5, $0x10;
	[tilespmem:v9+s13+$0x0] =	vst.idx.add.s32.msk $0xffff, v1;
	(pc) =	sbr.rel @p0 .LBB2_11-.Ltmp4, $4  }
0x122: {  	[tilespmem:v10+s13+$0x0] =	vst.idx.add.s32.msk $0xffff, v1  }
0x123: {  	[tilespmem:v8+s13+$0x0] =	vst.idx.add.s32.msk $0xffff, v1  }
0x124: {  	[tilespmem:v7+s13+$0x0] =	vst.idx.add.s32.msk $0xffff, v1  }
0x125: {  	[tilespmem:v6+s13+$0x0] =	vst.idx.add.s32.msk $0xffff, v1  }
0x126: {  	_ =	sdelay $0x2  }
0x127: {  	p0 =	seq.s32 s17, $0xF  }
0x128: {  	[tilespmem:v3+s13+$0x0] =	vst.idx.add.s32.msk $0xffff, v1;
	s18 =	sadd.s32 @!p0 s18, s6  }
0x129: {  	[tilespmem:v2+s13+$0x0] =	vst.idx.add.s32.msk $0xffff, v1;
	s19 =	simm.s32 @!p0 $0x200;
	s20 =	simm.s32 @!p0 $0x400;
	s21 =	simm.s32 @!p0 $0x0  }
0x12a: {  	[tilespmem:s21], [sflag:$0x1] =	stream.strided.gather @!p0 [hbm4b:s18+s19], $0x4000, s20, s19, $0x38;
	[tilespmem:$0x18000] =	vst v63  }
0x12b: {  	_ =	swait.ge [sflag:s14], $0x4000  }
0x12c: {  	[sflag:s14] =	ssyncset.done $0x0  }
0x12d: {  	s18 =	simm.s32 $0x4200;
	[sflag:s14] =	ssyncadd.s32 $0xFFFFC000  }
0x12e: {  	v2 =	vld [tilespmem:s18+$0x10]  }
0x12f: {  	v3 =	vld [tilespmem:s18+$0x0]  }
0x130: {  	v4 =	vld [tilespmem:s18+$0xFFFFFE00]  }
0x131: {  	v5 =	vld [tilespmem:s18+$0x70]  }
0x132: {  	v6 =	vld [tilespmem:s18+$0xFFFFFE20]  }
0x133: {  	v7 =	vld [tilespmem:s18+$0xFFFFFE30]  }
0x134: {  	v8 =	vld [tilespmem:s18+$0xFFFFFE40]  }
0x135: {  	v10 =	vld [tilespmem:s18+$0x50]  }
0x136: {  	v11 =	vld [tilespmem:s18+$0x40];
	v4 =	vshrl.u32 v4, $0x10  }
0x137: {  	v9 =	vld [tilespmem:s18+$0x60];
	v5 =	vshrl.u32 v5, $0x10  }
0x138: {  	v12 =	vld [tilespmem:s18+$0x30]  }
0x139: {  	v13 =	vld [tilespmem:s18+$0x20]  }
0x13a: {  	v14 =	vld [tilespmem:s18+$0xFFFFFE50];
	v59 =	vshrl.u32 v10, $0x10  }
0x13b: {  	v60 =	vshrl.u32 v11, $0x10;
	[tilespmem:v4+s13+$0x0] =	vst.idx.add.s32.msk $0xffff, v1  }
0x13c: {  	v4 =	vshrl.u32 v9, $0x10;
	[tilespmem:v5+s13+$0x0] =	vst.idx.add.s32.msk $0xffff, v1  }
0x13d: {  	v5 =	vld [tilespmem:s18+$0xFFFFFE70]  }
0x13e: {  	v61 =	vld [tilespmem:s18+$0xFFFFFE60];
	v2 =	vshrl.u32 v2, $0x10  }
0x13f: {  	v13 =	vshrl.u32 v13, $0x10;
	[tilespmem:v59+s13+$0x0] =	vst.idx.add.s32.msk $0xffff, v1  }
0x140: {  	v3 =	vshrl.u32 v3, $0x10;
	[tilespmem:v60+s13+$0x0] =	vst.idx.add.s32.msk $0xffff, v1  }
0x141: {  	v62 =	vshrl.u32 v12, $0x10;
	[tilespmem:v4+s13+$0x0] =	vst.idx.add.s32.msk $0xffff, v1  }
0x142: {  	v63 =	vshrl.u32 v14, $0x10;
	v4 =	vshrl.u32 v5, $0x10;
	v5 =	vld [tilespmem:s18+$0xFFFFFE10]  }
0x143: {  	[tilespmem:v2+s13+$0x0] =	vst.idx.add.s32.msk $0xffff, v1;
	v2 =	vshrl.u32 v7, $0x10  }
0x144: {  	v8 =	vshrl.u32 v8, $0x10;
	[tilespmem:v13+s13+$0x0] =	vst.idx.add.s32.msk $0xffff, v1  }
0x145: {  	v6 =	vshrl.u32 v6, $0x10;
	[tilespmem:v3+s13+$0x0] =	vst.idx.add.s32.msk $0xffff, v1  }
0x146: {  	[tilespmem:v62+s13+$0x0] =	vst.idx.add.s32.msk $0xffff, v1  }
0x147: {  	[tilespmem:v63+s13+$0x0] =	vst.idx.add.s32.msk $0xffff, v1;
	v3 =	vshrl.u32 v5, $0x10  }
0x148: {  	[tilespmem:v2+s13+$0x0] =	vst.idx.add.s32.msk $0xffff, v1;
	v2 =	vshrl.u32 v61, $0x10  }
0x149: {  	[tilespmem:v8+s13+$0x0] =	vst.idx.add.s32.msk $0xffff, v1  }
0x14a: {  	[tilespmem:v6+s13+$0x0] =	vst.idx.add.s32.msk $0xffff, v1  }
0x14b: {  	s20 =	simm.s32 $0x0;
	[tilespmem:v4+s13+$0x0] =	vst.idx.add.s32.msk $0xffff, v1  }
.LBB2_13:
0x14c: {  	s20 =	sadd.s32 $0x100, s20;
	[tilespmem:v3+s13+$0x0] =	vst.idx.add.s32.msk $0xffff, v1;
	s18 =	sadd.s32 $0x400, s18;
	s19 =	simm.s32 $0x4280  }
0x14d: {  	p0 =	slt.u32 s20, $0xF00;
	[tilespmem:v2+s13+$0x0] =	vst.idx.add.s32.msk $0xffff, v1  }
0x14e: {  	v2 =	vld [tilespmem:s18+$0x10]  }
0x14f: {  	v3 =	vld [tilespmem:s18+$0x0]  }
0x150: {  	v4 =	vld [tilespmem:s18+$0xFFFFFE00]  }
0x151: {  	v5 =	vld [tilespmem:s18+$0x70]  }
0x152: {  	v6 =	vld [tilespmem:s18+$0xFFFFFE20]  }
0x153: {  	v7 =	vld [tilespmem:s18+$0xFFFFFE30]  }
0x154: {  	v8 =	vld [tilespmem:s18+$0xFFFFFE40]  }
0x155: {  	v4 =	vshrl.u32 v4, $0x10;
	v9 =	vld [tilespmem:s18+$0x60]  }
0x156: {  	v10 =	vld [tilespmem:s18+$0x50];
	v5 =	vshrl.u32 v5, $0x10  }
0x157: {  	v11 =	vld [tilespmem:s18+$0x40]  }
0x158: {  	v12 =	vld [tilespmem:s18+$0x30]  }
0x159: {  	v13 =	vld [tilespmem:s18+$0x20]  }
0x15a: {  	[tilespmem:v4+s13+$0x0] =	vst.idx.add.s32.msk $0xffff, v1;
	v4 =	vshrl.u32 v9, $0x10  }
0x15b: {  	v9 =	vshrl.u32 v10, $0x10;
	[tilespmem:v5+s13+$0x0] =	vst.idx.add.s32.msk $0xffff, v1  }
0x15c: {  	v5 =	vld [tilespmem:s18+$0xFFFFFE70];
	v10 =	vshrl.u32 v11, $0x10  }
0x15d: {  	v11 =	vld [tilespmem:s18+$0xFFFFFE60]  }
0x15e: {  	v14 =	vld [tilespmem:s18+$0xFFFFFE50];
	v13 =	vshrl.u32 v13, $0x10  }
0x15f: {  	v15 =	vshrl.u32 v2, $0x10;
	[tilespmem:v4+s13+$0x0] =	vst.idx.add.s32.msk $0xffff, v1  }
0x160: {  	v3 =	vshrl.u32 v3, $0x10;
	[tilespmem:v9+s13+$0x0] =	vst.idx.add.s32.msk $0xffff, v1  }
0x161: {  	v4 =	vshrl.u32 v5, $0x10;
	[tilespmem:v10+s13+$0x0] =	vst.idx.add.s32.msk $0xffff, v1  }
0x162: {  	v9 =	vshrl.u32 v12, $0x10;
	v5 =	vld [tilespmem:s18+$0xFFFFFE10];
	v2 =	vshrl.u32 v11, $0x10  }
0x163: {  	v10 =	vshrl.u32 v14, $0x10;
	[tilespmem:v13+s13+$0x0] =	vst.idx.add.s32.msk $0xffff, v1  }
0x164: {  	v8 =	vshrl.u32 v8, $0x10;
	[tilespmem:v15+s13+$0x0] =	vst.idx.add.s32.msk $0xffff, v1  }
0x165: {  	v7 =	vshrl.u32 v7, $0x10;
	[tilespmem:v3+s13+$0x0] =	vst.idx.add.s32.msk $0xffff, v1  }
0x166: {  	v6 =	vshrl.u32 v6, $0x10;
	[tilespmem:v4+s13+$0x0] =	vst.idx.add.s32.msk $0xffff, v1  }
.Ltmp5:
0x167: {  	v3 =	vshrl.u32 v5, $0x10;
	[tilespmem:v9+s13+$0x0] =	vst.idx.add.s32.msk $0xffff, v1;
	(pc) =	sbr.rel @p0 .LBB2_13-.Ltmp5, $4  }
0x168: {  	[tilespmem:v10+s13+$0x0] =	vst.idx.add.s32.msk $0xffff, v1  }
0x169: {  	[tilespmem:v8+s13+$0x0] =	vst.idx.add.s32.msk $0xffff, v1  }
0x16a: {  	[tilespmem:v7+s13+$0x0] =	vst.idx.add.s32.msk $0xffff, v1  }
0x16b: {  	[tilespmem:v6+s13+$0x0] =	vst.idx.add.s32.msk $0xffff, v1  }
0x16c: {  	_ =	sdelay $0x3  }
0x16d: {  	[tilespmem:v3+s13+$0x0] =	vst.idx.add.s32.msk $0xffff, v1  }
0x16e: {  	[tilespmem:v2+s13+$0x0] =	vst.idx.add.s32.msk $0xffff, v1  }
0x16f: {  	v2 =	vld [tilespmem:s19+$0x10]  }
0x170: {  	v3 =	vld [tilespmem:s19+$0x20]  }
0x171: {  	v4 =	vld [tilespmem:s19+$0xFFFFFE00]  }
0x172: {  	v5 =	vld [tilespmem:s19+$0x70]  }
0x173: {  	v6 =	vld [tilespmem:s19+$0xFFFFFE10]  }
0x174: {  	v7 =	vld [tilespmem:s19+$0xFFFFFE20]  }
0x175: {  	v8 =	vld [tilespmem:s19+$0xFFFFFE30]  }
0x176: {  	v9 =	vld [tilespmem:s19+$0xFFFFFE40]  }
0x177: {  	v10 =	vld [tilespmem:s19+$0x60]  }
0x178: {  	v11 =	vld [tilespmem:s19+$0x50]  }
0x179: {  	v12 =	vld [tilespmem:s19+$0x40]  }
0x17a: {  	v13 =	vld [tilespmem:s19+$0x30];
	v4 =	vshrl.u32 v4, $0x10  }
0x17b: {  	v56 =	vld [tilespmem:s19+$0x0];
	v5 =	vshrl.u32 v5, $0x10  }
0x17c: {  	v58 =	vld [tilespmem:s19+$0xFFFFFE70];
	v55 =	vshrl.u32 v10, $0x10  }
0x17d: {  	v14 =	vld [tilespmem:s19+$0xFFFFFE60];
	v57 =	vshrl.u32 v11, $0x10  }
0x17e: {  	v15 =	vld [tilespmem:s19+$0xFFFFFE50];
	v12 =	vshrl.u32 v12, $0x10  }
0x17f: {  	v2 =	vshrl.u32 v2, $0x10;
	[tilespmem:v4+s13+$0x0] =	vst.idx.add.s32.msk $0xffff, v1  }
0x180: {  	v13 =	vshrl.u32 v13, $0x10;
	[tilespmem:v5+s13+$0x0] =	vst.idx.add.s32.msk $0xffff, v1  }
0x181: {  	v3 =	vshrl.u32 v3, $0x10;
	[tilespmem:v55+s13+$0x0] =	vst.idx.add.s32.msk $0xffff, v1  }
0x182: {  	v59 =	vshrl.u32 v56, $0x10;
	[tilespmem:v57+s13+$0x0] =	vst.idx.add.s32.msk $0xffff, v1  }
0x183: {  	v60 =	vshrl.u32 v58, $0x10;
	[tilespmem:v12+s13+$0x0] =	vst.idx.add.s32.msk $0xffff, v1  }
0x184: {  	[tilespmem:v2+s13+$0x0] =	vst.idx.add.s32.msk $0xffff, v1;
	v2 =	vshrl.u32 v8, $0x10  }
0x185: {  	v61 =	vshrl.u32 v14, $0x10;
	[tilespmem:v13+s13+$0x0] =	vst.idx.add.s32.msk $0xffff, v1  }
0x186: {  	v62 =	vshrl.u32 v15, $0x10;
	[tilespmem:v3+s13+$0x0] =	vst.idx.add.s32.msk $0xffff, v1  }
0x187: {  	v63 =	vshrl.u32 v7, $0x10;
	[tilespmem:v59+s13+$0x0] =	vst.idx.add.s32.msk $0xffff, v1  }
0x188: {  	v3 =	vshrl.u32 v9, $0x10;
	[tilespmem:v60+s13+$0x0] =	vst.idx.add.s32.msk $0xffff, v1  }
0x189: {  	[tilespmem:v2+s13+$0x0] =	vst.idx.add.s32.msk $0xffff, v1;
	v2 =	vshrl.u32 v6, $0x10  }
0x18a: {  	[tilespmem:v61+s13+$0x0] =	vst.idx.add.s32.msk $0xffff, v1  }
0x18b: {  	[tilespmem:v62+s13+$0x0] =	vst.idx.add.s32.msk $0xffff, v1  }
0x18c: {  	[tilespmem:v63+s13+$0x0] =	vst.idx.add.s32.msk $0xffff, v1  }
0x18d: {  	s20 =	simm.s32 $0x0;
	s18 =	simm.s32 $0x4300;
	[tilespmem:v3+s13+$0x0] =	vst.idx.add.s32.msk $0xffff, v1  }
.LBB2_15:
0x18e: {  	s20 =	sadd.s32 $0x100, s20;
	[tilespmem:v2+s13+$0x0] =	vst.idx.add.s32.msk $0xffff, v1;
	s19 =	sadd.s32 $0x400, s19  }
0x18f: {  	v2 =	vld [tilespmem:s19+$0x10];
	p0 =	slt.u32 s20, $0xF00  }
0x190: {  	v3 =	vld [tilespmem:s19+$0x20]  }
0x191: {  	v4 =	vld [tilespmem:s19+$0xFFFFFE00]  }
0x192: {  	v5 =	vld [tilespmem:s19+$0x70]  }
0x193: {  	v6 =	vld [tilespmem:s19+$0xFFFFFE10]  }
0x194: {  	v7 =	vld [tilespmem:s19+$0xFFFFFE20]  }
0x195: {  	v8 =	vld [tilespmem:s19+$0xFFFFFE30]  }
0x196: {  	v4 =	vshrl.u32 v4, $0x10;
	v9 =	vld [tilespmem:s19+$0xFFFFFE40]  }
0x197: {  	v10 =	vld [tilespmem:s19+$0x60];
	v5 =	vshrl.u32 v5, $0x10  }
0x198: {  	v11 =	vld [tilespmem:s19+$0x50]  }
0x199: {  	v12 =	vld [tilespmem:s19+$0x40]  }
0x19a: {  	v13 =	vld [tilespmem:s19+$0x30]  }
0x19b: {  	[tilespmem:v4+s13+$0x0] =	vst.idx.add.s32.msk $0xffff, v1  }
0x19c: {  	v4 =	vshrl.u32 v10, $0x10;
	[tilespmem:v5+s13+$0x0] =	vst.idx.add.s32.msk $0xffff, v1  }
0x19d: {  	v5 =	vld [tilespmem:s19+$0x0];
	v10 =	vshrl.u32 v11, $0x10  }
0x19e: {  	v11 =	vld [tilespmem:s19+$0xFFFFFE70];
	v12 =	vshrl.u32 v12, $0x10  }
0x19f: {  	v14 =	vld [tilespmem:s19+$0xFFFFFE60];
	v13 =	vshrl.u32 v13, $0x10  }
0x1a0: {  	v3 =	vshrl.u32 v3, $0x10;
	v15 =	vld [tilespmem:s19+$0xFFFFFE50]  }
0x1a1: {  	v2 =	vshrl.u32 v2, $0x10;
	[tilespmem:v4+s13+$0x0] =	vst.idx.add.s32.msk $0xffff, v1  }
0x1a2: {  	v4 =	vshrl.u32 v5, $0x10;
	[tilespmem:v10+s13+$0x0] =	vst.idx.add.s32.msk $0xffff, v1  }
0x1a3: {  	v5 =	vshrl.u32 v11, $0x10;
	[tilespmem:v12+s13+$0x0] =	vst.idx.add.s32.msk $0xffff, v1  }
0x1a4: {  	v10 =	vshrl.u32 v14, $0x10;
	[tilespmem:v13+s13+$0x0] =	vst.idx.add.s32.msk $0xffff, v1  }
0x1a5: {  	v11 =	vshrl.u32 v15, $0x10;
	[tilespmem:v3+s13+$0x0] =	vst.idx.add.s32.msk $0xffff, v1  }
0x1a6: {  	v3 =	vshrl.u32 v9, $0x10;
	[tilespmem:v2+s13+$0x0] =	vst.idx.add.s32.msk $0xffff, v1  }
0x1a7: {  	v8 =	vshrl.u32 v8, $0x10;
	[tilespmem:v4+s13+$0x0] =	vst.idx.add.s32.msk $0xffff, v1  }
0x1a8: {  	v4 =	vshrl.u32 v7, $0x10;
	[tilespmem:v5+s13+$0x0] =	vst.idx.add.s32.msk $0xffff, v1  }
.Ltmp6:
0x1a9: {  	v2 =	vshrl.u32 v6, $0x10;
	[tilespmem:v10+s13+$0x0] =	vst.idx.add.s32.msk $0xffff, v1;
	(pc) =	sbr.rel @p0 .LBB2_15-.Ltmp6, $4  }
0x1aa: {  	[tilespmem:v11+s13+$0x0] =	vst.idx.add.s32.msk $0xffff, v1  }
0x1ab: {  	[tilespmem:v3+s13+$0x0] =	vst.idx.add.s32.msk $0xffff, v1  }
0x1ac: {  	[tilespmem:v8+s13+$0x0] =	vst.idx.add.s32.msk $0xffff, v1  }
0x1ad: {  	[tilespmem:v4+s13+$0x0] =	vst.idx.add.s32.msk $0xffff, v1  }
0x1ae: {  	_ =	sdelay $0x3  }
0x1af: {  	[tilespmem:v2+s13+$0x0] =	vst.idx.add.s32.msk $0xffff, v1  }
0x1b0: {  	v2 =	vld [tilespmem:s18+$0x10]  }
0x1b1: {  	v3 =	vld [tilespmem:s18+$0x0]  }
0x1b2: {  	v4 =	vld [tilespmem:s18+$0xFFFFFE00]  }
0x1b3: {  	v5 =	vld [tilespmem:s18+$0x70]  }
0x1b4: {  	v6 =	vld [tilespmem:s18+$0xFFFFFE20]  }
0x1b5: {  	v7 =	vld [tilespmem:s18+$0xFFFFFE30]  }
0x1b6: {  	v8 =	vld [tilespmem:s18+$0xFFFFFE40]  }
0x1b7: {  	v10 =	vld [tilespmem:s18+$0x50]  }
0x1b8: {  	v11 =	vld [tilespmem:s18+$0x40];
	v4 =	vshrl.u32 v4, $0x10  }
0x1b9: {  	v9 =	vld [tilespmem:s18+$0x60];
	v5 =	vshrl.u32 v5, $0x10  }
0x1ba: {  	v12 =	vld [tilespmem:s18+$0x30]  }
0x1bb: {  	v13 =	vld [tilespmem:s18+$0x20]  }
0x1bc: {  	v14 =	vld [tilespmem:s18+$0xFFFFFE50];
	v59 =	vshrl.u32 v10, $0x10  }
0x1bd: {  	v60 =	vshrl.u32 v11, $0x10;
	[tilespmem:v4+s13+$0x0] =	vst.idx.add.s32.msk $0xffff, v1  }
0x1be: {  	v4 =	vshrl.u32 v9, $0x10;
	[tilespmem:v5+s13+$0x0] =	vst.idx.add.s32.msk $0xffff, v1  }
0x1bf: {  	v5 =	vld [tilespmem:s18+$0xFFFFFE70]  }
0x1c0: {  	v61 =	vld [tilespmem:s18+$0xFFFFFE60];
	v2 =	vshrl.u32 v2, $0x10  }
0x1c1: {  	v13 =	vshrl.u32 v13, $0x10;
	[tilespmem:v59+s13+$0x0] =	vst.idx.add.s32.msk $0xffff, v1  }
0x1c2: {  	v3 =	vshrl.u32 v3, $0x10;
	[tilespmem:v60+s13+$0x0] =	vst.idx.add.s32.msk $0xffff, v1  }
0x1c3: {  	v62 =	vshrl.u32 v12, $0x10;
	[tilespmem:v4+s13+$0x0] =	vst.idx.add.s32.msk $0xffff, v1  }
0x1c4: {  	v63 =	vshrl.u32 v14, $0x10;
	v4 =	vshrl.u32 v5, $0x10;
	v5 =	vld [tilespmem:s18+$0xFFFFFE10]  }
0x1c5: {  	[tilespmem:v2+s13+$0x0] =	vst.idx.add.s32.msk $0xffff, v1;
	v2 =	vshrl.u32 v7, $0x10  }
0x1c6: {  	v8 =	vshrl.u32 v8, $0x10;
	[tilespmem:v13+s13+$0x0] =	vst.idx.add.s32.msk $0xffff, v1  }
0x1c7: {  	v6 =	vshrl.u32 v6, $0x10;
	[tilespmem:v3+s13+$0x0] =	vst.idx.add.s32.msk $0xffff, v1  }
0x1c8: {  	[tilespmem:v62+s13+$0x0] =	vst.idx.add.s32.msk $0xffff, v1  }
0x1c9: {  	[tilespmem:v63+s13+$0x0] =	vst.idx.add.s32.msk $0xffff, v1;
	v3 =	vshrl.u32 v5, $0x10  }
0x1ca: {  	[tilespmem:v2+s13+$0x0] =	vst.idx.add.s32.msk $0xffff, v1;
	v2 =	vshrl.u32 v61, $0x10  }
0x1cb: {  	[tilespmem:v8+s13+$0x0] =	vst.idx.add.s32.msk $0xffff, v1  }
0x1cc: {  	[tilespmem:v6+s13+$0x0] =	vst.idx.add.s32.msk $0xffff, v1  }
0x1cd: {  	s20 =	simm.s32 $0x0;
	[tilespmem:v4+s13+$0x0] =	vst.idx.add.s32.msk $0xffff, v1  }
.LBB2_17:
0x1ce: {  	s20 =	sadd.s32 $0x100, s20;
	[tilespmem:v3+s13+$0x0] =	vst.idx.add.s32.msk $0xffff, v1;
	s18 =	sadd.s32 $0x400, s18;
	s19 =	simm.s32 $0x4380  }
0x1cf: {  	p0 =	slt.u32 s20, $0xF00;
	[tilespmem:v2+s13+$0x0] =	vst.idx.add.s32.msk $0xffff, v1  }
0x1d0: {  	v2 =	vld [tilespmem:s18+$0x10]  }
0x1d1: {  	v3 =	vld [tilespmem:s18+$0x0]  }
0x1d2: {  	v4 =	vld [tilespmem:s18+$0xFFFFFE00]  }
0x1d3: {  	v5 =	vld [tilespmem:s18+$0x70]  }
0x1d4: {  	v6 =	vld [tilespmem:s18+$0xFFFFFE20]  }
0x1d5: {  	v7 =	vld [tilespmem:s18+$0xFFFFFE30]  }
0x1d6: {  	v8 =	vld [tilespmem:s18+$0xFFFFFE40]  }
0x1d7: {  	v4 =	vshrl.u32 v4, $0x10;
	v9 =	vld [tilespmem:s18+$0x60]  }
0x1d8: {  	v10 =	vld [tilespmem:s18+$0x50];
	v5 =	vshrl.u32 v5, $0x10  }
0x1d9: {  	v11 =	vld [tilespmem:s18+$0x40]  }
0x1da: {  	v12 =	vld [tilespmem:s18+$0x30]  }
0x1db: {  	v13 =	vld [tilespmem:s18+$0x20]  }
0x1dc: {  	[tilespmem:v4+s13+$0x0] =	vst.idx.add.s32.msk $0xffff, v1;
	v4 =	vshrl.u32 v9, $0x10  }
0x1dd: {  	v9 =	vshrl.u32 v10, $0x10;
	[tilespmem:v5+s13+$0x0] =	vst.idx.add.s32.msk $0xffff, v1  }
0x1de: {  	v5 =	vld [tilespmem:s18+$0xFFFFFE70];
	v10 =	vshrl.u32 v11, $0x10  }
0x1df: {  	v11 =	vld [tilespmem:s18+$0xFFFFFE60]  }
0x1e0: {  	v14 =	vld [tilespmem:s18+$0xFFFFFE50];
	v13 =	vshrl.u32 v13, $0x10  }
0x1e1: {  	v15 =	vshrl.u32 v2, $0x10;
	[tilespmem:v4+s13+$0x0] =	vst.idx.add.s32.msk $0xffff, v1  }
0x1e2: {  	v3 =	vshrl.u32 v3, $0x10;
	[tilespmem:v9+s13+$0x0] =	vst.idx.add.s32.msk $0xffff, v1  }
0x1e3: {  	v4 =	vshrl.u32 v5, $0x10;
	[tilespmem:v10+s13+$0x0] =	vst.idx.add.s32.msk $0xffff, v1  }
0x1e4: {  	v9 =	vshrl.u32 v12, $0x10;
	v5 =	vld [tilespmem:s18+$0xFFFFFE10];
	v2 =	vshrl.u32 v11, $0x10  }
0x1e5: {  	v10 =	vshrl.u32 v14, $0x10;
	[tilespmem:v13+s13+$0x0] =	vst.idx.add.s32.msk $0xffff, v1  }
0x1e6: {  	v8 =	vshrl.u32 v8, $0x10;
	[tilespmem:v15+s13+$0x0] =	vst.idx.add.s32.msk $0xffff, v1  }
0x1e7: {  	v7 =	vshrl.u32 v7, $0x10;
	[tilespmem:v3+s13+$0x0] =	vst.idx.add.s32.msk $0xffff, v1  }
0x1e8: {  	v6 =	vshrl.u32 v6, $0x10;
	[tilespmem:v4+s13+$0x0] =	vst.idx.add.s32.msk $0xffff, v1  }
.Ltmp7:
0x1e9: {  	v3 =	vshrl.u32 v5, $0x10;
	[tilespmem:v9+s13+$0x0] =	vst.idx.add.s32.msk $0xffff, v1;
	(pc) =	sbr.rel @p0 .LBB2_17-.Ltmp7, $4  }
0x1ea: {  	[tilespmem:v10+s13+$0x0] =	vst.idx.add.s32.msk $0xffff, v1  }
0x1eb: {  	[tilespmem:v8+s13+$0x0] =	vst.idx.add.s32.msk $0xffff, v1  }
0x1ec: {  	[tilespmem:v7+s13+$0x0] =	vst.idx.add.s32.msk $0xffff, v1  }
0x1ed: {  	[tilespmem:v6+s13+$0x0] =	vst.idx.add.s32.msk $0xffff, v1  }
0x1ee: {  	_ =	sdelay $0x3  }
0x1ef: {  	[tilespmem:v3+s13+$0x0] =	vst.idx.add.s32.msk $0xffff, v1  }
0x1f0: {  	[tilespmem:v2+s13+$0x0] =	vst.idx.add.s32.msk $0xffff, v1  }
0x1f1: {  	v2 =	vld [tilespmem:s19+$0x10]  }
0x1f2: {  	v3 =	vld [tilespmem:s19+$0x0]  }
0x1f3: {  	v4 =	vld [tilespmem:s19+$0xFFFFFE00]  }
0x1f4: {  	v5 =	vld [tilespmem:s19+$0x70]  }
0x1f5: {  	v6 =	vld [tilespmem:s19+$0xFFFFFE20]  }
0x1f6: {  	v7 =	vld [tilespmem:s19+$0xFFFFFE30]  }
0x1f7: {  	v8 =	vld [tilespmem:s19+$0xFFFFFE40]  }
0x1f8: {  	v10 =	vld [tilespmem:s19+$0x50]  }
0x1f9: {  	v11 =	vld [tilespmem:s19+$0x40];
	v4 =	vshrl.u32 v4, $0x10  }
0x1fa: {  	v9 =	vld [tilespmem:s19+$0x60];
	v5 =	vshrl.u32 v5, $0x10  }
0x1fb: {  	v12 =	vld [tilespmem:s19+$0x30]  }
0x1fc: {  	v13 =	vld [tilespmem:s19+$0x20]  }
0x1fd: {  	v14 =	vld [tilespmem:s19+$0xFFFFFE50];
	v59 =	vshrl.u32 v10, $0x10  }
0x1fe: {  	v60 =	vshrl.u32 v11, $0x10;
	[tilespmem:v4+s13+$0x0] =	vst.idx.add.s32.msk $0xffff, v1  }
0x1ff: {  	v4 =	vshrl.u32 v9, $0x10;
	[tilespmem:v5+s13+$0x0] =	vst.idx.add.s32.msk $0xffff, v1  }
0x200: {  	v5 =	vld [tilespmem:s19+$0xFFFFFE70]  }
0x201: {  	v61 =	vld [tilespmem:s19+$0xFFFFFE60];
	v2 =	vshrl.u32 v2, $0x10  }
0x202: {  	v13 =	vshrl.u32 v13, $0x10;
	[tilespmem:v59+s13+$0x0] =	vst.idx.add.s32.msk $0xffff, v1  }
0x203: {  	v3 =	vshrl.u32 v3, $0x10;
	[tilespmem:v60+s13+$0x0] =	vst.idx.add.s32.msk $0xffff, v1  }
0x204: {  	v62 =	vshrl.u32 v12, $0x10;
	[tilespmem:v4+s13+$0x0] =	vst.idx.add.s32.msk $0xffff, v1  }
0x205: {  	v63 =	vshrl.u32 v14, $0x10;
	v4 =	vshrl.u32 v5, $0x10;
	v5 =	vld [tilespmem:s19+$0xFFFFFE10]  }
0x206: {  	[tilespmem:v2+s13+$0x0] =	vst.idx.add.s32.msk $0xffff, v1;
	v2 =	vshrl.u32 v7, $0x10  }
0x207: {  	v8 =	vshrl.u32 v8, $0x10;
	[tilespmem:v13+s13+$0x0] =	vst.idx.add.s32.msk $0xffff, v1  }
0x208: {  	v6 =	vshrl.u32 v6, $0x10;
	[tilespmem:v3+s13+$0x0] =	vst.idx.add.s32.msk $0xffff, v1  }
0x209: {  	[tilespmem:v62+s13+$0x0] =	vst.idx.add.s32.msk $0xffff, v1  }
0x20a: {  	[tilespmem:v63+s13+$0x0] =	vst.idx.add.s32.msk $0xffff, v1;
	v3 =	vshrl.u32 v5, $0x10  }
0x20b: {  	[tilespmem:v2+s13+$0x0] =	vst.idx.add.s32.msk $0xffff, v1;
	v2 =	vshrl.u32 v61, $0x10  }
0x20c: {  	[tilespmem:v8+s13+$0x0] =	vst.idx.add.s32.msk $0xffff, v1  }
0x20d: {  	[tilespmem:v6+s13+$0x0] =	vst.idx.add.s32.msk $0xffff, v1  }
0x20e: {  	s18 =	simm.s32 $0x0;
	[tilespmem:v4+s13+$0x0] =	vst.idx.add.s32.msk $0xffff, v1  }
.LBB2_19:
0x20f: {  	s18 =	sadd.s32 $0x100, s18;
	[tilespmem:v3+s13+$0x0] =	vst.idx.add.s32.msk $0xffff, v1;
	s19 =	sadd.s32 $0x400, s19  }
0x210: {  	p0 =	slt.u32 s18, $0xF00;
	[tilespmem:v2+s13+$0x0] =	vst.idx.add.s32.msk $0xffff, v1  }
0x211: {  	v2 =	vld [tilespmem:s19+$0x10]  }
0x212: {  	v3 =	vld [tilespmem:s19+$0x0]  }
0x213: {  	v4 =	vld [tilespmem:s19+$0xFFFFFE00]  }
0x214: {  	v5 =	vld [tilespmem:s19+$0x70]  }
0x215: {  	v6 =	vld [tilespmem:s19+$0xFFFFFE20]  }
0x216: {  	v7 =	vld [tilespmem:s19+$0xFFFFFE30]  }
0x217: {  	v8 =	vld [tilespmem:s19+$0xFFFFFE40]  }
0x218: {  	v4 =	vshrl.u32 v4, $0x10;
	v9 =	vld [tilespmem:s19+$0x60]  }
0x219: {  	v10 =	vld [tilespmem:s19+$0x50];
	v5 =	vshrl.u32 v5, $0x10  }
0x21a: {  	v11 =	vld [tilespmem:s19+$0x40]  }
0x21b: {  	v12 =	vld [tilespmem:s19+$0x30]  }
0x21c: {  	v13 =	vld [tilespmem:s19+$0x20]  }
0x21d: {  	[tilespmem:v4+s13+$0x0] =	vst.idx.add.s32.msk $0xffff, v1;
	v4 =	vshrl.u32 v9, $0x10  }
0x21e: {  	v9 =	vshrl.u32 v10, $0x10;
	[tilespmem:v5+s13+$0x0] =	vst.idx.add.s32.msk $0xffff, v1  }
0x21f: {  	v5 =	vld [tilespmem:s19+$0xFFFFFE70];
	v10 =	vshrl.u32 v11, $0x10  }
0x220: {  	v11 =	vld [tilespmem:s19+$0xFFFFFE60]  }
0x221: {  	v14 =	vld [tilespmem:s19+$0xFFFFFE50];
	v13 =	vshrl.u32 v13, $0x10  }
0x222: {  	v15 =	vshrl.u32 v2, $0x10;
	[tilespmem:v4+s13+$0x0] =	vst.idx.add.s32.msk $0xffff, v1  }
0x223: {  	v3 =	vshrl.u32 v3, $0x10;
	[tilespmem:v9+s13+$0x0] =	vst.idx.add.s32.msk $0xffff, v1  }
0x224: {  	v4 =	vshrl.u32 v5, $0x10;
	[tilespmem:v10+s13+$0x0] =	vst.idx.add.s32.msk $0xffff, v1  }
0x225: {  	v9 =	vshrl.u32 v12, $0x10;
	v5 =	vld [tilespmem:s19+$0xFFFFFE10];
	v2 =	vshrl.u32 v11, $0x10  }
0x226: {  	v10 =	vshrl.u32 v14, $0x10;
	[tilespmem:v13+s13+$0x0] =	vst.idx.add.s32.msk $0xffff, v1  }
0x227: {  	v8 =	vshrl.u32 v8, $0x10;
	[tilespmem:v15+s13+$0x0] =	vst.idx.add.s32.msk $0xffff, v1  }
0x228: {  	v7 =	vshrl.u32 v7, $0x10;
	[tilespmem:v3+s13+$0x0] =	vst.idx.add.s32.msk $0xffff, v1  }
0x229: {  	v6 =	vshrl.u32 v6, $0x10;
	[tilespmem:v4+s13+$0x0] =	vst.idx.add.s32.msk $0xffff, v1  }
.Ltmp8:
0x22a: {  	v3 =	vshrl.u32 v5, $0x10;
	[tilespmem:v9+s13+$0x0] =	vst.idx.add.s32.msk $0xffff, v1;
	(pc) =	sbr.rel @p0 .LBB2_19-.Ltmp8, $4  }
0x22b: {  	[tilespmem:v10+s13+$0x0] =	vst.idx.add.s32.msk $0xffff, v1  }
0x22c: {  	[tilespmem:v8+s13+$0x0] =	vst.idx.add.s32.msk $0xffff, v1  }
0x22d: {  	[tilespmem:v7+s13+$0x0] =	vst.idx.add.s32.msk $0xffff, v1  }
0x22e: {  	[tilespmem:v6+s13+$0x0] =	vst.idx.add.s32.msk $0xffff, v1  }
0x22f: {  	s17 =	sadd.s32 $0x1, s17  }
0x230: {  	p0 =	sne.s32 s17, $0x10  }
.Ltmp9:
0x231: {  	_ = 	snop;
	(pc) =	sbr.rel @p0 .LBB2_4-.Ltmp9, $3  }
0x232: {  	_ =	sdelay $0x1  }
0x233: {  	[tilespmem:v3+s13+$0x0] =	vst.idx.add.s32.msk $0xffff, v1  }
0x234: {  	[tilespmem:v2+s13+$0x0] =	vst.idx.add.s32.msk $0xffff, v1  }
0x235: {  	s2 =	sadd.s32 $0x1, s2  }
0x236: {  	p0 =	sne.s32 s2, s8  }
.Ltmp10:
0x237: {  	_ = 	snop;
	(pc) =	sbr.rel @p0 .LBB2_1-.Ltmp10, $4  }
0x238: {  	[hbm4b:s7+s15] =	stream.strided.scatter [tilespmem:s13], [sflag:$0x3], $0x10000, s10, s15, $0x38;
	[tilespmem:$0x18000] =	vst v63  }
0x239: {  	_ =	swait.ge [sflag:s16], $0x10000  }
0x23a: {  	[sflag:s16] =	ssyncset.done $0x0  }
0x23b: {  	[sflag:s16] =	ssyncadd.s32 $0xFFFF0000  }
0x23c: {  	_ =	sfence.sel $0x180000  }
0x23d: {  	[bflag:$0x0] =	sbarrier.arrive $0xFFFF  }
0x23e: {  	p0 =	sne.s32 s0, $0x0;
	_ =	strace $0x90000047  }
0x23f: {  	s0 =	sadd.s32 @!p0 $0x100000, s1;
	[bflag:$0x2] =	sbarrier.arrive $0xFFFF  }
0x240: {  	[sflag:s0] =	ssyncadd.tile.s32 @!p0 $0x1;
	_ =	shalt  }
.Lfunc_end2:
_tile_overlayer_lowered:
.L_overlay_start_2:
0x241: {  	(tag) =	ssettag $0x2  }
0x242: {  	s0 =	rddreg [dreg:$0x0];
	s2 =	stileid.u32  }
0x243: {  	s1 =	rddreg [dreg:$0x1];
	p0 =	sne.s32 s2, $0x0  }
0x244: {  	s3 =	rddreg [dreg:$0x2];
	[bflag:$0x3] =	sbarrier.arrive $0xFFFF;
	s2 =	simm.s32 @!p0 $0x1C03  }
0x245: {  	[timem:s3], [sflag:s2] =	dma.local @!p0 [hbm:s0], s1  }
0x246: {  	s0 =	simm.s32 @!p0 $0x3  }
0x247: {  	_ =	swait.ge @!p0 [sflag:s0], s1  }
0x248: {  	s1 =	ssub.s32 @!p0 $0x0, s1;
	[sflag:s0] =	ssyncset.done @!p0 $0x0  }
0x249: {  	[sflag:s0] =	ssyncadd.s32 @!p0 s1  }
0x24a: {  	[bflag:$0x3] =	sbarrier.arrive $0xFFFF  }
0x24b: {  	_ =	shalt  }

// kernel: kernel.9.cloned.1.call-start
scs
__scs_entry_jumppad:
0x0: {  	(pc) =	sbr.rel $0x88, $3  }
0x1: {  	(tag) =	ssettag $0x0;
	lr =	simm.s32 $0x1  }
0x2: {  	[smem:$0x3F9E] =	sst lr;
	_ =	strace $0xD0000000  }
0x3: {  	_ = 	snop  }
0x4: {  	_ = 	snop  }
0x5: {  	_ = 	snop  }
0x6: {  	_ = 	snop  }
0x7: {  	_ = 	snop  }
__scs_overlays_trampoline_lowered:
0x8: {  	[smem:$0x3FAD] =	sst s0  }
0x9: {  	[smem:$0x3FAE] =	sst s1  }
0xa: {  	[smem:$0x3FAF] =	sst s2  }
0xb: {  	[smem:$0x3FB0] =	sst s3  }
0xc: {  	[smem:$0x3FB1] =	sst s4  }
0xd: {  	[smem:$0x3FB2] =	sst s5  }
0xe: {  	[smem:$0x3FB3] =	sst s6  }
0xf: {  	[smem:$0x3FB4] =	sst s7  }
0x10: {  	[smem:$0x3FB5] =	sst s8  }
0x11: {  	[smem:$0x3FB6] =	sst s9;
	s0 =	simm.s32 @!p0 $0x0  }
0x12: {  	s1 =	sld [smem:$0x3F9C];
	s0 =	simm.s32 @p0 $0x1  }
0x13: {  	[smem:$0x3FB7] =	sst s0;
	s0 =	simm.s32 @!p1 $0x0  }
0x14: {  	s2 =	sld [smem:$0x3F9B];
	s0 =	simm.s32 @p1 $0x1  }
0x15: {  	[smem:$0x3FB8] =	sst s0;
	s0 =	simm.s32 @!p2 $0x0  }
0x16: {  	s3 =	sld [smem:$0x3FDB];
	s0 =	simm.s32 @p2 $0x1  }
0x17: {  	s4 =	simm.s32 $0x1BF5;
	[smem:$0x3FBA] =	sst s0  }
0x18: {  	s0 =	sld [smem:$0x3F9D];
	_ =	swait.ge [sflag:s4], $0x0  }
0x19: {  	s7 =	sld [smem:$0x3F9E]  }
0x1a: {  	s8 =	sadd.s32 $0xFFFFE003, lr  }
0x1b: {  	s9 =	sadd.s32 $0xFFFFFEF7, lr;
	s5 =	simm.s32 $0xFFFFFFFF;
	p2 =	slt.u32 s8, $0xFFFFF086  }
0x1c: {  	p1 =	slt.u32 s9, $0xF7A;
	s5 =	simm.s32 @!p2 $0x0  }
0x1d: {  	s5 =	simm.s32 @p1 $0x1;
	p0 =	seq.s32 s7, s2  }
0x1e: {  	s7 =	smul.u32 @!p0 $0xF7A, s2;
	p2 =	seq.s32 @!p0 s5, $0x0  }
0x1f: {  	s9 =	smul.u32 $0xF7A, s1;
	s8 =	simm.s32 @!p0 $0x1BF5;
	p2 =	por !p2, p0  }
0x20: {  	[sflag:s8] =	ssyncset.s32 @!p0 $0xFFFFF086;
	s6 =	sadd.s32 @!p0 s3, s7;
	s7 =	simm.s32 @!p0 $0x108  }
0x21: {  	s3 =	sadd.s32 s3, s9;
	s6 =	sadd.s32 @!p0 $0x88, s6;
	s7 =	simm.s32 @p2 $0x1082  }
0x22: {  	[simem:s7], [sflag:s8] =	dma.local @!p0 [hbm:s6], $0xF7A  }
0x23: {  	s9 =	sor.u32 $0xD0000000, s2;
	s6 =	simm.s32 $0x108;
	_ =	swait.ge @!p0 [sflag:s8], $0x0  }
0x24: {  	s3 =	sadd.s32 $0x88, s3;
	s6 =	simm.s32 @!p1 $0x1082;
	[sflag:s4] =	ssyncset.s32 $0xFFFFF086  }
0x25: {  	[simem:s6], [sflag:s4] =	dma.local [hbm:s3], $0xF7A  }
0x26: {  	[smem:$0x3F9E] =	sst s1;
	(tag) =	ssettag s2;
	_ =	strace s9  }
0x27: {  	s1 =	sld [smem:$0x3FAE]  }
0x28: {  	s2 =	sld [smem:$0x3FAF]  }
0x29: {  	s4 =	sld [smem:$0x3FB1]  }
0x2a: {  	p0 =	seq.s32 s5, $0x0;
	s5 =	sld [smem:$0x3FB2]  }
0x2b: {  	s6 =	sld [smem:$0x3FB3]  }
0x2c: {  	s7 =	sld [smem:$0x3FB4]  }
0x2d: {  	s3 =	simm.s32 $0x108;
	s8 =	sld [smem:$0x3FB5]  }
0x2e: {  	s3 =	simm.s32 @!p0 $0x1082;
	s9 =	sld [smem:$0x3FB6]  }
0x2f: {  	lr =	sadd.s32 s0, s3;
	s0 =	sld [smem:$0x3FAD]  }
0x30: {  	s3 =	sld [smem:$0x3FB0]  }
0x31: {  	[smem:$0x3FB9] =	sst s10  }
0x32: {  	s10 =	sld [smem:$0x3FB7];
	_ =	sdelay $0x3  }
0x33: {  	p0 =	seq.s32 s10, $0x1;
	s10 =	sld [smem:$0x3FB9];
	_ =	sdelay $0x3  }
0x34: {  	[smem:$0x3FB9] =	sst s10  }
0x35: {  	s10 =	sld [smem:$0x3FB8];
	_ =	sdelay $0x3  }
0x36: {  	p1 =	seq.s32 s10, $0x1;
	s10 =	sld [smem:$0x3FB9];
	_ =	sdelay $0x3  }
0x37: {  	[smem:$0x3FB9] =	sst s10  }
0x38: {  	s10 =	sld [smem:$0x3FBA]  }
0x39: {  	_ = 	snop;
	(pc) =	sbr.ind lr, $3  }
0x3a: {  	_ = 	snop  }
0x3b: {  	_ = 	snop  }
0x3c: {  	p2 =	seq.s32 s10, $0x1;
	s10 =	sld [smem:$0x3FB9]  }
0x3d: {  	_ =	shalt  }
0x3e: {  	_ =	shalt  }
0x3f: {  	_ =	shalt  }
0x40: {  	_ =	shalt  }
0x41: {  	_ =	shalt  }
0x42: {  	_ =	shalt  }
0x43: {  	_ =	shalt  }
0x44: {  	_ =	shalt  }
0x45: {  	_ =	shalt  }
0x46: {  	_ =	shalt  }
0x47: {  	_ =	shalt  }
0x48: {  	_ =	shalt  }
0x49: {  	_ =	shalt  }
0x4a: {  	_ =	shalt  }
0x4b: {  	_ =	shalt  }
0x4c: {  	_ =	shalt  }
0x4d: {  	_ =	shalt  }
0x4e: {  	_ =	shalt  }
0x4f: {  	_ =	shalt  }
0x50: {  	_ =	shalt  }
0x51: {  	_ =	shalt  }
0x52: {  	_ =	shalt  }
0x53: {  	_ =	shalt  }
0x54: {  	_ =	shalt  }
0x55: {  	_ =	shalt  }
0x56: {  	_ =	shalt  }
0x57: {  	_ =	shalt  }
0x58: {  	_ =	shalt  }
0x59: {  	_ =	shalt  }
0x5a: {  	_ =	shalt  }
0x5b: {  	_ =	shalt  }
0x5c: {  	_ =	shalt  }
0x5d: {  	_ =	shalt  }
0x5e: {  	_ =	shalt  }
0x5f: {  	_ =	shalt  }
0x60: {  	_ =	shalt  }
0x61: {  	_ =	shalt  }
0x62: {  	_ =	shalt  }
0x63: {  	_ =	shalt  }
0x64: {  	_ =	shalt  }
0x65: {  	_ =	shalt  }
0x66: {  	_ =	shalt  }
0x67: {  	_ =	shalt  }
0x68: {  	_ =	shalt  }
0x69: {  	_ =	shalt  }
0x6a: {  	_ =	shalt  }
0x6b: {  	_ =	shalt  }
0x6c: {  	_ =	shalt  }
0x6d: {  	_ =	shalt  }
0x6e: {  	_ =	shalt  }
0x6f: {  	_ =	shalt  }
0x70: {  	_ =	shalt  }
0x71: {  	_ =	shalt  }
0x72: {  	_ =	shalt  }
0x73: {  	_ =	shalt  }
0x74: {  	_ =	shalt  }
0x75: {  	_ =	shalt  }
0x76: {  	_ =	shalt  }
0x77: {  	_ =	shalt  }
0x78: {  	_ =	shalt  }
0x79: {  	_ =	shalt  }
0x7a: {  	_ =	shalt  }
0x7b: {  	_ =	shalt  }
0x7c: {  	_ =	shalt  }
0x7d: {  	_ =	shalt  }
0x7e: {  	_ =	shalt  }
0x7f: {  	_ =	shalt  }
0x80: {  	_ =	shalt  }
0x81: {  	_ =	shalt  }
0x82: {  	_ =	shalt  }
0x83: {  	_ =	shalt  }
0x84: {  	_ =	shalt  }
0x85: {  	_ =	shalt  }
0x86: {  	_ =	shalt  }
0x87: {  	_ =	shalt  }
.Lfunc_end0:
.L_simem_size_0:
called_computation.1_lowered:
.L_overlay_start_0:
0x88: {  	s2 =	sld [smem:$0x3FD9]  }
0x89: {  	s3 =	sld [smem:$0x3FFE];
	_ =	sdelay $0x1  }
0x8a: {  	s1 =	srdreg.scid  }
0x8b: {  	s0 =	sand.u32 $0x1, s1  }
0x8c: {  	s17 =	sshll.u32 s0, $0xA;
	s2 =	sadd.s32 s3, s2  }
0x8d: {  	s2 =	sadd.s32 s2, s17  }
0x8e: {  	[smem:$0x3FC5] =	sst s2  }
0x8f: {  	_ = 	snop  }
0x90: {  	s2 =	sld [smem:$0x3FD0];
	(tm) =	ssettm $0x1  }
0x91: {  	s18 =	sld [smem:$0x3FFB];
	_ =	sdelay $0x3  }
0x92: {  	_ =	strace s18  }
0x93: {  	s3 =	sld [smem:$0x3FFC];
	_ =	sdelay $0x3  }
0x94: {  	_ =	strace s3  }
0x95: {  	s3 =	sld [smem:$0x3FFD];
	_ =	sdelay $0x3  }
0x96: {  	_ =	strace s3  }
0x97: {  	_ =	strace $0x8FFFFFFF  }
0x98: {  	s19 =	sld [smem:$0x3FDB];
	_ =	sdelay $0x1  }
0x99: {  	s4 =	simm.s32 $_scs_section_size  }
0x9a: {  	s5 =	simm.s32 $_size__tile_overlayer_lowered;
	s6 =	simm.s32 $_tile_overlayer_lowered  }
0x9b: {  	s22 =	simm.s32 $0x1BFF;
	s21 =	sshll.u32 s6, $0x1;
	s3 =	sadd.s32 s4, s19  }
0x9c: {  	s7 =	simm.s32 $0x0;
	s20 =	sshll.u32 s5, $0x1;
	s5 =	sadd.s32 s21, s3  }
0x9d: {  	[timem:s7], [sflag:s22] =	dma.local [hbm:s5], s20  }
0x9e: {  	_ =	swait.ge [sflag:s22], s20  }
0x9f: {  	s4 =	ssub.s32 $0x0, s20;
	[sflag:s22] =	ssyncset.done $0x0  }
0xa0: {  	[sflag:s22] =	ssyncadd.s32 s4;
	_ =	sdelay $0x1  }
0xa1: {  	s23 =	simm.s32 $0x1B8B  }
0xa2: {  	_ =	swait.ge [sflag:s23], $0x1  }
0xa3: {  	[sflag:s23] =	ssyncset.done $0x0  }
0xa4: {  	s25 =	simm.s32 $0x1B8E;
	s24 =	sld [smem:$0x3FFE];
	[sflag:s23] =	ssyncadd.s32 $0xFFFFFFFF  }
0xa5: {  	s26 =	simm.s32 $execute0_lowered;
	[smem:$0x3FD2] =	sst s25  }
0xa6: {  	s5 =	sshll.u32 s26, $0x1;
	_ =	strace $0x80000049;
	[dreg:$0x1] =	wrdreg $0xFFFFFFFF  }
0xa7: {  	s28 =	simm.s32 $_size_execute0_lowered;
	s3 =	sadd.s32 s3, s5;
	[dreg:$0x0] =	wrdreg $0x0  }
0xa8: {  	s5 =	sshll.u32 s28, $0x1;
	[dreg:$0x2] =	wrdreg s3  }
0xa9: {  	[dreg:$0x3] =	wrdreg s5  }
0xaa: {  	[dreg:$0x4] =	wrdreg $0xC0  }
0xab: {  	_ =	task [dreg:s7], $0x5FFFF  }
0xac: {  	[dreg:$0x1] =	wrdreg $0xFFFFFFFF  }
0xad: {  	[dreg:$0x0] =	wrdreg $0x60  }
0xae: {  	[dreg:$0x2] =	wrdreg s24  }
0xaf: {  	[dreg:$0x3] =	wrdreg s2  }
0xb0: {  	[dreg:$0x4] =	wrdreg $0x9  }
0xb1: {  	_ =	task.clear_ibuf [dreg:s7], $0x5FFFF;
	_ =	strace $0x90000049  }
0xb2: {  	s29 =	simm.s32 $0x9;
	_ =	strace $0x8000004B  }
0xb3: {  	_ =	swait.ge [sflag:s29], $0x1  }
0xb4: {  	[sflag:s29] =	ssyncadd.s32 $0xFFFFFFFF  }
0xb5: {  	_ =	strace $0x9000004B  }
0xb6: {  	_ =	sfence  }
0xb7: {  	s30 =	sld [smem:$0x0];
	_ =	sdelay $0x2  }
0xb8: {  	s31 =	sshll.u32 s1, $0xD;
	s1 =	sshrl.u32 s1, $0x2  }
0xb9: {  	s3 =	sand.u32 $0x4000, s31;
	s1 =	sadd.s32 s1, s30  }
0xba: {  	s0 =	sor.u32 s3, s0;
	s1 =	sshll.u32 s1, $0x11  }
0xbb: {  	s0 =	sor.u32 s1, s0  }
0xbc: {  	s0 =	sadd.s32 $0x8F2B, s0  }
0xbd: {  	[sflag:s0] =	ssyncadd.remote.s32 $0x1  }
0xbe: {  	_ =	sfence.sel $0xFFFF  }
0xbf: {  	[dreg:$0x0] =	wrdreg $0xFFFFFFFF;
	(pc) =	sbr.abs _section_cstart, $3  }
0xc0: {  	[dreg:$0x1] =	wrdreg $0xFFFFFFFF  }
0xc1: {  	_ =	task.clear_ibuf [dreg:s7], $0x2FFFF;
	_ =	strace $0x9FFFFFFF  }
0xc2: {  	(tm) =	ssettm $0x7FFFFFFF  }
0xc3: {  	_ =	shalt  }
tec
execute0_lowered:
.L_overlay_start_1:
0x0: {  	(tag) =	ssettag $0x1  }
0x1: {  	s6 =	rddreg [dreg:$0x0]  }
0x2: {  	s1 =	srdreg.scid;
	s0 =	stileid.u32  }
0x3: {  	s8 =	rddreg [dreg:$0x1];
	s2 =	simm.s32 $0x0;
	s11 =	simm.s32 $0x200  }
0x4: {  	s12 =	simm.s32 $0x400;
	s13 =	simm.s32 $0x80;
	s14 =	simm.s32 $0x4080  }
0x5: {  	s15 =	simm.s32 $0x1;
	s16 =	simm.s32 $0x8080;
	s17 =	simm.s32 $0x2  }
0x6: {  	s4 =	sand.u32 $0x1, s1;
	s3 =	sshll.u32 s0, $0x1;
	[smem:$0x7FF] =	sst s2  }
0x7: {  	s1 =	rddreg [dreg:$0x2];
	s5 =	sor.u32 s4, s3;
	_ =	strace $0x8000004A  }
0x8: {  	s7 =	ssub.s32 $0x2, s4;
	s3 =	sshll.u32 s5, $0x10;
	s5 =	sshll.u32 s5, $0x7  }
0x9: {  	s4 =	sadd.s32 $0x200200, s6;
	s9 =	sshrl.u32 s7, $0x1;
	s5 =	sor.u32 s5, s3  }
0xa: {  	s9 =	ssub.s32 s7, s9;
	s10 =	sand.u32 $0x180380, s5;
	s5 =	sadd.s32 s6, s3  }
0xb: {  	s6 =	sadd.s32 $0x40, s6;
	s9 =	smax.u32 s9, $0x1;
	s10 =	sshrl.u32 s10, $0x3  }
0xc: {  	v0 =	vimm.s32 $0x0;
	v1 =	vimm.s32 $0x1;
	s7 =	sadd.s32 $0x1000, s5;
	s8 =	sadd.s32 s8, s10;
	s10 =	simm.s32 $0x3  }
.LBB2_1:
0xd: {  	s18 =	simm.s32 $0x80C0  }
0xe: {  	[tilespmem:s18+$0xFFFFFFC0] =	vst v0  }
0xf: {  	[tilespmem:s18+$0x30] =	vst v0  }
0x10: {  	[tilespmem:s18+$0x20] =	vst v0  }
0x11: {  	[tilespmem:s18+$0x10] =	vst v0  }
0x12: {  	[tilespmem:s18+$0x0] =	vst v0  }
0x13: {  	[tilespmem:s18+$0xFFFFFFF0] =	vst v0  }
0x14: {  	s19 =	simm.s32 $0x0;
	[tilespmem:s18+$0xFFFFFFE0] =	vst v0  }
.LBB2_2:
0x15: {  	s19 =	sadd.s32 $0x80, s19;
	[tilespmem:s18+$0xFFFFFFD0] =	vst v0;
	s18 =	sadd.s32 $0x80, s18  }
0x16: {  	[tilespmem:s18+$0xFFFFFFC0] =	vst v0;
	p0 =	slt.u32 s19, $0xFF80  }
0x17: {  	[tilespmem:s18+$0x30] =	vst v0  }
.Ltmp0:
0x18: {  	[tilespmem:s18+$0x20] =	vst v0;
	(pc) =	sbr.rel @p0 .LBB2_2-.Ltmp0, $4  }
0x19: {  	[tilespmem:s18+$0x10] =	vst v0  }
0x1a: {  	[tilespmem:s18+$0x0] =	vst v0  }
0x1b: {  	[tilespmem:s18+$0xFFFFFFF0] =	vst v0  }
0x1c: {  	[tilespmem:s18+$0xFFFFFFE0] =	vst v0  }
0x1d: {  	[tilespmem:s18+$0xFFFFFFD0] =	vst v0;
	s18 =	simm.s32 $0x0  }
0x1e: {  	[tilespmem:s18], [sflag:$0x3] =	stream.linear.gather [hbm4b:s4+s18], $0x80, $0x38;
	[tilespmem:$0x18080] =	vst v63  }
0x1f: {  	_ =	swait.ge [sflag:s10], $0x80  }
0x20: {  	[sflag:s10] =	ssyncset.done $0x0  }
0x21: {  	[sflag:s10] =	ssyncadd.s32 $0xFFFFFF80  }
0x22: {  	v2 =	vld [tilespmem:$0x0];
	[tilespmem:s13], [sflag:$0x1] =	stream.strided.gather [hbm4b:s5+s11], $0x4000, s12, s11, $0x38  }
.LBB2_4:
0x23: {  	s19 =	sshll.u32 s18, $0xC  }
0x24: {  	s20 =	sor.u32 s19, s3  }
0x25: {  	s20 =	sadd.s32 s20, s6  }
0x26: {  	[tilespmem:s14], [sflag:$0x2] =	stream.strided.gather [hbm4b:s20+s11], $0x4000, s12, s11, $0x38;
	[tilespmem:$0x18080] =	vst v63  }
0x27: {  	_ =	swait.ge [sflag:s15], $0x4000  }
0x28: {  	[sflag:s15] =	ssyncset.done $0x0  }
0x29: {  	s20 =	simm.s32 $0x280;
	[sflag:s15] =	ssyncadd.s32 $0xFFFFC000  }
0x2a: {  	v3 =	vld [tilespmem:s20+$0xFFFFFE20]  }
0x2b: {  	v5 =	vld [tilespmem:s20+$0xFFFFFE30]  }
0x2c: {  	v6 =	vld [tilespmem:s20+$0xFFFFFE00]  }
0x2d: {  	v7 =	vld [tilespmem:s20+$0x70]  }
0x2e: {  	v8 =	vld [tilespmem:s20+$0x60]  }
0x2f: {  	v9 =	vld [tilespmem:s20+$0x50]  }
0x30: {  	v10 =	vld [tilespmem:s20+$0x40]  }
0x31: {  	v12 =	vld [tilespmem:s20+$0x30]  }
0x32: {  	v50 =	vld [tilespmem:s20+$0x20];
	v11 =	vshra.s32 v6, $0x10  }
0x33: {  	v4 =	vld [tilespmem:s20+$0xFFFFFE40];
	v13 =	vshra.s32 v7, $0x10;
	v6 =	vand.u32 $0xFFFF, v6;
	vm0 =	veq.s32 v11, v2  }
0x34: {  	v19 =	vld [tilespmem:s20+$0xFFFFFE50];
	v15 =	vshra.s32 v8, $0x10;
	v7 =	vand.u32 $0xFFFF, v7;
	vm1 =	veq.s32 v13, v2  }
0x35: {  	v14 =	vld [tilespmem:s20+$0x10];
	v8 =	vand.u32 $0xFFFF, v8;
	v16 =	vshra.s32 v10, $0x10;
	vm2 =	veq.s32 v15, v2  }
0x36: {  	v51 =	vld [tilespmem:s20+$0x0];
	v18 =	vshra.s32 v12, $0x10;
	v10 =	vand.u32 $0xFFFF, v10;
	v53 =	vshra.s32 v9, $0x10  }
0x37: {  	v17 =	vld [tilespmem:s20+$0xFFFFFE60];
	v12 =	vand.u32 $0xFFFF, v12;
	v54 =	vshra.s32 v50, $0x10;
	vm3 =	veq.s32 v16, v2  }
0x38: {  	v52 =	vld [tilespmem:s20+$0xFFFFFE70];
	v9 =	vand.u32 $0xFFFF, v9;
	v58 =	vshra.s32 v4, $0x10;
	vm4 =	veq.s32 v18, v2  }
0x39: {  	v60 =	vshra.s32 v19, $0x10;
	v61 =	vshra.s32 v3, $0x10;
	vm5 =	veq.s32 v53, v2;
	[tilespmem:v6+s16+$0x0] =	vst.idx.add.s32.msk vm0, v1  }
0x3a: {  	v4 =	vand.u32 $0xFFFF, v4;
	v11 =	vand.u32 $0xFFFF, v50;
	vm14 =	veq.s32 v58, v2;
	[tilespmem:v7+s16+$0x0] =	vst.idx.add.s32.msk vm1, v1  }
0x3b: {  	vm0 =	veq.s32 v54, v2;
	v6 =	vshra.s32 v51, $0x10;
	v7 =	vshra.s32 v14, $0x10;
	[tilespmem:v8+s16+$0x0] =	vst.idx.add.s32.msk vm2, v1  }
0x3c: {  	vm1 =	veq.s32 v6, v2;
	vm2 =	veq.s32 v7, v2;
	v6 =	vld [tilespmem:s20+$0xFFFFFE10];
	v7 =	vshra.s32 v17, $0x10  }
0x3d: {  	vm15 =	veq.s32 v60, v2;
	[tilespmem:v10+s16+$0x0] =	vst.idx.add.s32.msk vm3, v1;
	vm6 =	veq.s32 v7, v2;
	v7 =	vand.u32 $0xFFFF, v14  }
0x3e: {  	v56 =	vshra.s32 v52, $0x10;
	v62 =	vand.u32 $0xFFFF, v19;
	vm7 =	veq.s32 v61, v2;
	[tilespmem:v12+s16+$0x0] =	vst.idx.add.s32.msk vm4, v1  }
0x3f: {  	v63 =	vand.u32 $0xFFFF, v3;
	vm3 =	veq.s32 v56, v2;
	[tilespmem:v9+s16+$0x0] =	vst.idx.add.s32.msk vm5, v1  }
0x40: {  	v59 =	vand.u32 $0xFFFF, v52;
	v3 =	vshra.s32 v5, $0x10;
	[tilespmem:v4+s16+$0x0] =	vst.idx.add.s32.msk vm14, v1  }
0x41: {  	v55 =	vand.u32 $0xFFFF, v51;
	[tilespmem:v11+s16+$0x0] =	vst.idx.add.s32.msk vm0, v1;
	vm0 =	veq.s32 v3, v2;
	v3 =	vshra.s32 v6, $0x10  }
0x42: {  	v57 =	vand.u32 $0xFFFF, v17;
	[tilespmem:v7+s16+$0x0] =	vst.idx.add.s32.msk vm2, v1;
	vm2 =	veq.s32 v3, v2  }
0x43: {  	[tilespmem:v62+s16+$0x0] =	vst.idx.add.s32.msk vm15, v1;
	v4 =	vand.u32 $0xFFFF, v6  }
0x44: {  	[tilespmem:v63+s16+$0x0] =	vst.idx.add.s32.msk vm7, v1;
	v3 =	vand.u32 $0xFFFF, v5  }
0x45: {  	[tilespmem:v59+s16+$0x0] =	vst.idx.add.s32.msk vm3, v1  }
0x46: {  	[tilespmem:v55+s16+$0x0] =	vst.idx.add.s32.msk vm1, v1  }
0x47: {  	s22 =	simm.s32 $0x0;
	[tilespmem:v57+s16+$0x0] =	vst.idx.add.s32.msk vm6, v1  }
.LBB2_5:
0x48: {  	s22 =	sadd.s32 $0x100, s22;
	[tilespmem:v4+s16+$0x0] =	vst.idx.add.s32.msk vm2, v1;
	s20 =	sadd.s32 $0x400, s20;
	s21 =	simm.s32 $0x300  }
0x49: {  	p0 =	slt.u32 s22, $0xF00;
	[tilespmem:v3+s16+$0x0] =	vst.idx.add.s32.msk vm0, v1  }
0x4a: {  	v3 =	vld [tilespmem:s20+$0xFFFFFE20]  }
0x4b: {  	v5 =	vld [tilespmem:s20+$0xFFFFFE30]  }
0x4c: {  	v4 =	vld [tilespmem:s20+$0xFFFFFE40]  }
0x4d: {  	v6 =	vld [tilespmem:s20+$0xFFFFFE00]  }
0x4e: {  	v7 =	vld [tilespmem:s20+$0x70]  }
0x4f: {  	v8 =	vld [tilespmem:s20+$0x60]  }
0x50: {  	v9 =	vld [tilespmem:s20+$0x50]  }
0x51: {  	v10 =	vld [tilespmem:s20+$0x40]  }
0x52: {  	v11 =	vshra.s32 v6, $0x10;
	v12 =	vld [tilespmem:s20+$0x30]  }
0x53: {  	vm1 =	veq.s32 v11, v2;
	v11 =	vld [tilespmem:s20+$0x20];
	v13 =	vshra.s32 v7, $0x10  }
0x54: {  	v6 =	vand.u32 $0xFFFF, v6;
	v14 =	vld [tilespmem:s20+$0x10];
	v15 =	vshra.s32 v8, $0x10;
	vm3 =	veq.s32 v13, v2  }
0x55: {  	v7 =	vand.u32 $0xFFFF, v7;
	v8 =	vand.u32 $0xFFFF, v8;
	v13 =	vld [tilespmem:s20+$0x0];
	vm4 =	veq.s32 v15, v2  }
0x56: {  	v17 =	vshra.s32 v9, $0x10;
	v15 =	vld [tilespmem:s20+$0xFFFFFE70];
	v16 =	vshra.s32 v10, $0x10;
	v10 =	vand.u32 $0xFFFF, v10  }
0x57: {  	v18 =	vld [tilespmem:s20+$0xFFFFFE60];
	v19 =	vshra.s32 v12, $0x10;
	v12 =	vand.u32 $0xFFFF, v12;
	vm5 =	veq.s32 v16, v2  }
0x58: {  	vm0 =	veq.s32 v17, v2;
	v16 =	vld [tilespmem:s20+$0xFFFFFE50];
	v20 =	vshra.s32 v11, $0x10;
	vm6 =	veq.s32 v19, v2  }
0x59: {  	v11 =	vand.u32 $0xFFFF, v11;
	[tilespmem:v6+s16+$0x0] =	vst.idx.add.s32.msk vm1, v1;
	v6 =	vshra.s32 v14, $0x10;
	vm2 =	veq.s32 v20, v2  }
0x5a: {  	v17 =	vshra.s32 v13, $0x10;
	vm1 =	veq.s32 v6, v2;
	v6 =	vand.u32 $0xFFFF, v9;
	[tilespmem:v7+s16+$0x0] =	vst.idx.add.s32.msk vm3, v1  }
0x5b: {  	v7 =	vshra.s32 v15, $0x10;
	v9 =	vand.u32 $0xFFFF, v15;
	vm3 =	veq.s32 v17, v2;
	[tilespmem:v8+s16+$0x0] =	vst.idx.add.s32.msk vm4, v1  }
0x5c: {  	v13 =	vand.u32 $0xFFFF, v13;
	v8 =	vld [tilespmem:s20+$0xFFFFFE10];
	v15 =	vshra.s32 v18, $0x10;
	v17 =	vand.u32 $0xFFFF, v18  }
0x5d: {  	v14 =	vand.u32 $0xFFFF, v14;
	v18 =	vand.u32 $0xFFFF, v16;
	vm4 =	veq.s32 v15, v2;
	[tilespmem:v10+s16+$0x0] =	vst.idx.add.s32.msk vm5, v1  }
0x5e: {  	v10 =	vshra.s32 v4, $0x10;
	v15 =	vshra.s32 v16, $0x10;
	vm5 =	veq.s32 v7, v2;
	[tilespmem:v12+s16+$0x0] =	vst.idx.add.s32.msk vm6, v1  }
0x5f: {  	v7 =	vshra.s32 v5, $0x10;
	vm6 =	veq.s32 v10, v2;
	vm7 =	veq.s32 v15, v2;
	[tilespmem:v6+s16+$0x0] =	vst.idx.add.s32.msk vm0, v1  }
0x60: {  	v6 =	vshra.s32 v3, $0x10;
	vm0 =	veq.s32 v7, v2;
	v7 =	vand.u32 $0xFFFF, v4;
	[tilespmem:v11+s16+$0x0] =	vst.idx.add.s32.msk vm2, v1  }
0x61: {  	vm8 =	veq.s32 v6, v2;
	v4 =	vshra.s32 v8, $0x10;
	[tilespmem:v13+s16+$0x0] =	vst.idx.add.s32.msk vm3, v1  }
0x62: {  	v6 =	vand.u32 $0xFFFF, v3;
	vm2 =	veq.s32 v4, v2;
	[tilespmem:v14+s16+$0x0] =	vst.idx.add.s32.msk vm1, v1  }
.Ltmp1:
0x63: {  	v3 =	vand.u32 $0xFFFF, v5;
	v4 =	vand.u32 $0xFFFF, v8;
	[tilespmem:v17+s16+$0x0] =	vst.idx.add.s32.msk vm4, v1;
	(pc) =	sbr.rel @p0 .LBB2_5-.Ltmp1, $4  }
0x64: {  	[tilespmem:v9+s16+$0x0] =	vst.idx.add.s32.msk vm5, v1  }
0x65: {  	[tilespmem:v7+s16+$0x0] =	vst.idx.add.s32.msk vm6, v1  }
0x66: {  	[tilespmem:v18+s16+$0x0] =	vst.idx.add.s32.msk vm7, v1  }
0x67: {  	[tilespmem:v6+s16+$0x0] =	vst.idx.add.s32.msk vm8, v1  }
0x68: {  	_ =	sdelay $0x4  }
0x69: {  	[tilespmem:v4+s16+$0x0] =	vst.idx.add.s32.msk vm2, v1  }
0x6a: {  	[tilespmem:v3+s16+$0x0] =	vst.idx.add.s32.msk vm0, v1  }
0x6b: {  	v4 =	vld [tilespmem:s21+$0xFFFFFE20]  }
0x6c: {  	v3 =	vld [tilespmem:s21+$0xFFFFFE30]  }
0x6d: {  	v6 =	vld [tilespmem:s21+$0x70]  }
0x6e: {  	v7 =	vld [tilespmem:s21+$0x60]  }
0x6f: {  	v5 =	vld [tilespmem:s21+$0xFFFFFE00]  }
0x70: {  	v9 =	vld [tilespmem:s21+$0x40]  }
0x71: {  	v10 =	vld [tilespmem:s21+$0x30]  }
0x72: {  	v11 =	vld [tilespmem:s21+$0x20];
	v12 =	vshra.s32 v6, $0x10  }
0x73: {  	v8 =	vld [tilespmem:s21+$0x50];
	v14 =	vshra.s32 v7, $0x10;
	vm0 =	veq.s32 v12, v2  }
0x74: {  	v51 =	vld [tilespmem:s21+$0x0];
	v6 =	vand.u32 $0xFFFF, v6;
	vm1 =	veq.s32 v14, v2  }
0x75: {  	v52 =	vld [tilespmem:s21+$0xFFFFFE70];
	v15 =	vshra.s32 v9, $0x10;
	v7 =	vand.u32 $0xFFFF, v7  }
0x76: {  	v13 =	vld [tilespmem:s21+$0x10];
	vm2 =	veq.s32 v15, v2  }
0x77: {  	v53 =	vld [tilespmem:s21+$0xFFFFFE50];
	v17 =	vshra.s32 v10, $0x10;
	v18 =	vshra.s32 v11, $0x10;
	v9 =	vand.u32 $0xFFFF, v9  }
0x78: {  	v19 =	vld [tilespmem:s21+$0xFFFFFE40];
	v54 =	vshra.s32 v8, $0x10;
	v10 =	vand.u32 $0xFFFF, v10;
	vm3 =	veq.s32 v17, v2  }
0x79: {  	v11 =	vand.u32 $0xFFFF, v11;
	vm4 =	veq.s32 v18, v2;
	[tilespmem:v6+s16+$0x0] =	vst.idx.add.s32.msk vm0, v1;
	v6 =	vshra.s32 v5, $0x10  }
0x7a: {  	v55 =	vshra.s32 v51, $0x10;
	[tilespmem:v7+s16+$0x0] =	vst.idx.add.s32.msk vm1, v1;
	vm1 =	veq.s32 v6, v2;
	v6 =	vshra.s32 v52, $0x10  }
0x7b: {  	v16 =	vld [tilespmem:s21+$0xFFFFFE60];
	v56 =	vshra.s32 v13, $0x10;
	v5 =	vand.u32 $0xFFFF, v5;
	vm6 =	veq.s32 v6, v2  }
0x7c: {  	v8 =	vand.u32 $0xFFFF, v8;
	[tilespmem:v9+s16+$0x0] =	vst.idx.add.s32.msk vm2, v1;
	vm2 =	veq.s32 v56, v2;
	v6 =	vand.u32 $0xFFFF, v52  }
0x7d: {  	v57 =	vshra.s32 v19, $0x10;
	v58 =	vand.u32 $0xFFFF, v13;
	vm0 =	veq.s32 v55, v2;
	v7 =	vld [tilespmem:s21+$0xFFFFFE10]  }
0x7e: {  	v59 =	vshra.s32 v53, $0x10;
	vm5 =	veq.s32 v54, v2;
	v12 =	vand.u32 $0xFFFF, v51;
	[tilespmem:v10+s16+$0x0] =	vst.idx.add.s32.msk vm3, v1  }
0x7f: {  	v60 =	vshra.s32 v3, $0x10;
	v61 =	vand.u32 $0xFFFF, v19;
	vm14 =	veq.s32 v59, v2;
	[tilespmem:v11+s16+$0x0] =	vst.idx.add.s32.msk vm4, v1  }
0x80: {  	v62 =	vand.u32 $0xFFFF, v53;
	v63 =	vand.u32 $0xFFFF, v3;
	vm15 =	veq.s32 v60, v2;
	[tilespmem:v5+s16+$0x0] =	vst.idx.add.s32.msk vm1, v1  }
0x81: {  	vm3 =	veq.s32 v57, v2;
	v5 =	vshra.s32 v4, $0x10;
	[tilespmem:v6+s16+$0x0] =	vst.idx.add.s32.msk vm6, v1;
	v6 =	vshra.s32 v16, $0x10  }
0x82: {  	[tilespmem:v58+s16+$0x0] =	vst.idx.add.s32.msk vm2, v1;
	vm2 =	veq.s32 v5, v2;
	vm1 =	veq.s32 v6, v2;
	v6 =	vshra.s32 v7, $0x10  }
0x83: {  	[tilespmem:v12+s16+$0x0] =	vst.idx.add.s32.msk vm0, v1;
	v5 =	vand.u32 $0xFFFF, v4;
	vm0 =	veq.s32 v6, v2  }
0x84: {  	[tilespmem:v8+s16+$0x0] =	vst.idx.add.s32.msk vm5, v1;
	v4 =	vand.u32 $0xFFFF, v7  }
0x85: {  	v3 =	vand.u32 $0xFFFF, v16;
	[tilespmem:v62+s16+$0x0] =	vst.idx.add.s32.msk vm14, v1  }
0x86: {  	[tilespmem:v63+s16+$0x0] =	vst.idx.add.s32.msk vm15, v1  }
0x87: {  	s22 =	simm.s32 $0x0;
	s20 =	simm.s32 $0x380;
	[tilespmem:v61+s16+$0x0] =	vst.idx.add.s32.msk vm3, v1  }
.LBB2_7:
0x88: {  	s22 =	sadd.s32 $0x100, s22;
	[tilespmem:v5+s16+$0x0] =	vst.idx.add.s32.msk vm2, v1;
	s21 =	sadd.s32 $0x400, s21  }
0x89: {  	p0 =	slt.u32 s22, $0xF00;
	[tilespmem:v4+s16+$0x0] =	vst.idx.add.s32.msk vm0, v1  }
0x8a: {  	[tilespmem:v3+s16+$0x0] =	vst.idx.add.s32.msk vm1, v1  }
0x8b: {  	v4 =	vld [tilespmem:s21+$0xFFFFFE20]  }
0x8c: {  	v5 =	vld [tilespmem:s21+$0xFFFFFE30]  }
0x8d: {  	v3 =	vld [tilespmem:s21+$0xFFFFFE00]  }
0x8e: {  	v6 =	vld [tilespmem:s21+$0x70]  }
0x8f: {  	v7 =	vld [tilespmem:s21+$0x60]  }
0x90: {  	v8 =	vld [tilespmem:s21+$0x50]  }
0x91: {  	v9 =	vld [tilespmem:s21+$0x40]  }
0x92: {  	v10 =	vshra.s32 v3, $0x10;
	v11 =	vld [tilespmem:s21+$0x30]  }
0x93: {  	v13 =	vshra.s32 v4, $0x10;
	v12 =	vand.u32 $0xFFFF, v3;
	v3 =	vld [tilespmem:s21+$0x20];
	v14 =	vshra.s32 v6, $0x10  }
0x94: {  	vm0 =	veq.s32 v10, v2;
	v10 =	vld [tilespmem:s21+$0x10];
	v15 =	vshra.s32 v7, $0x10;
	vm1 =	veq.s32 v14, v2  }
0x95: {  	v6 =	vand.u32 $0xFFFF, v6;
	v14 =	vld [tilespmem:s21+$0x0];
	v16 =	vshra.s32 v8, $0x10;
	vm3 =	veq.s32 v15, v2  }
0x96: {  	v7 =	vand.u32 $0xFFFF, v7;
	v8 =	vand.u32 $0xFFFF, v8;
	v15 =	vld [tilespmem:s21+$0xFFFFFE70];
	v17 =	vshra.s32 v9, $0x10  }
0x97: {  	vm2 =	veq.s32 v16, v2;
	v18 =	vld [tilespmem:s21+$0xFFFFFE60];
	v19 =	vshra.s32 v11, $0x10;
	vm4 =	veq.s32 v17, v2  }
0x98: {  	v9 =	vand.u32 $0xFFFF, v9;
	v16 =	vld [tilespmem:s21+$0xFFFFFE50];
	v17 =	vshra.s32 v3, $0x10;
	vm5 =	veq.s32 v19, v2  }
0x99: {  	v11 =	vand.u32 $0xFFFF, v11;
	v19 =	vld [tilespmem:s21+$0xFFFFFE40];
	vm6 =	veq.s32 v17, v2;
	v17 =	vand.u32 $0xFFFF, v3  }
0x9a: {  	v20 =	vshra.s32 v10, $0x10;
	v10 =	vand.u32 $0xFFFF, v10;
	v3 =	vshra.s32 v14, $0x10;
	[tilespmem:v6+s16+$0x0] =	vst.idx.add.s32.msk vm1, v1  }
0x9b: {  	v6 =	vshra.s32 v15, $0x10;
	v15 =	vand.u32 $0xFFFF, v15;
	vm7 =	veq.s32 v3, v2;
	[tilespmem:v7+s16+$0x0] =	vst.idx.add.s32.msk vm3, v1  }
0x9c: {  	v14 =	vand.u32 $0xFFFF, v14;
	v7 =	vld [tilespmem:s21+$0xFFFFFE10];
	v21 =	vshra.s32 v18, $0x10;
	v3 =	vand.u32 $0xFFFF, v18  }
0x9d: {  	vm3 =	veq.s32 v6, v2;
	v18 =	vshra.s32 v16, $0x10;
	vm1 =	veq.s32 v21, v2;
	[tilespmem:v9+s16+$0x0] =	vst.idx.add.s32.msk vm4, v1  }
0x9e: {  	v9 =	vand.u32 $0xFFFF, v16;
	vm4 =	veq.s32 v20, v2;
	v6 =	vshra.s32 v19, $0x10;
	[tilespmem:v11+s16+$0x0] =	vst.idx.add.s32.msk vm5, v1  }
0x9f: {  	v16 =	vand.u32 $0xFFFF, v5;
	v11 =	vshra.s32 v5, $0x10;
	vm5 =	veq.s32 v6, v2;
	[tilespmem:v17+s16+$0x0] =	vst.idx.add.s32.msk vm6, v1  }
0xa0: {  	vm8 =	veq.s32 v18, v2;
	vm6 =	veq.s32 v11, v2;
	v6 =	vand.u32 $0xFFFF, v19;
	[tilespmem:v8+s16+$0x0] =	vst.idx.add.s32.msk vm2, v1  }
0xa1: {  	vm2 =	veq.s32 v13, v2;
	v5 =	vshra.s32 v7, $0x10;
	[tilespmem:v14+s16+$0x0] =	vst.idx.add.s32.msk vm7, v1  }
0xa2: {  	[tilespmem:v12+s16+$0x0] =	vst.idx.add.s32.msk vm0, v1;
	vm0 =	veq.s32 v5, v2;
	v5 =	vand.u32 $0xFFFF, v4  }
.Ltmp2:
0xa3: {  	v4 =	vand.u32 $0xFFFF, v7;
	[tilespmem:v15+s16+$0x0] =	vst.idx.add.s32.msk vm3, v1;
	(pc) =	sbr.rel @p0 .LBB2_7-.Ltmp2, $4  }
0xa4: {  	[tilespmem:v10+s16+$0x0] =	vst.idx.add.s32.msk vm4, v1  }
0xa5: {  	[tilespmem:v6+s16+$0x0] =	vst.idx.add.s32.msk vm5, v1  }
0xa6: {  	[tilespmem:v9+s16+$0x0] =	vst.idx.add.s32.msk vm8, v1  }
0xa7: {  	[tilespmem:v16+s16+$0x0] =	vst.idx.add.s32.msk vm6, v1  }
0xa8: {  	_ =	sdelay $0x4  }
0xa9: {  	[tilespmem:v5+s16+$0x0] =	vst.idx.add.s32.msk vm2, v1  }
0xaa: {  	[tilespmem:v4+s16+$0x0] =	vst.idx.add.s32.msk vm0, v1  }
0xab: {  	[tilespmem:v3+s16+$0x0] =	vst.idx.add.s32.msk vm1, v1  }
0xac: {  	v3 =	vld [tilespmem:s20+$0xFFFFFE20]  }
0xad: {  	v5 =	vld [tilespmem:s20+$0xFFFFFE30]  }
0xae: {  	v6 =	vld [tilespmem:s20+$0xFFFFFE00]  }
0xaf: {  	v7 =	vld [tilespmem:s20+$0x70]  }
0xb0: {  	v8 =	vld [tilespmem:s20+$0x60]  }
0xb1: {  	v9 =	vld [tilespmem:s20+$0x50]  }
0xb2: {  	v10 =	vld [tilespmem:s20+$0x40]  }
0xb3: {  	v12 =	vld [tilespmem:s20+$0x30]  }
0xb4: {  	v50 =	vld [tilespmem:s20+$0x20];
	v11 =	vshra.s32 v6, $0x10  }
0xb5: {  	v4 =	vld [tilespmem:s20+$0xFFFFFE40];
	v13 =	vshra.s32 v7, $0x10;
	v6 =	vand.u32 $0xFFFF, v6;
	vm0 =	veq.s32 v11, v2  }
0xb6: {  	v19 =	vld [tilespmem:s20+$0xFFFFFE50];
	v15 =	vshra.s32 v8, $0x10;
	v7 =	vand.u32 $0xFFFF, v7;
	vm1 =	veq.s32 v13, v2  }
0xb7: {  	v14 =	vld [tilespmem:s20+$0x10];
	v8 =	vand.u32 $0xFFFF, v8;
	v16 =	vshra.s32 v10, $0x10;
	vm2 =	veq.s32 v15, v2  }
0xb8: {  	v51 =	vld [tilespmem:s20+$0x0];
	v18 =	vshra.s32 v12, $0x10;
	v10 =	vand.u32 $0xFFFF, v10;
	v53 =	vshra.s32 v9, $0x10  }
0xb9: {  	v17 =	vld [tilespmem:s20+$0xFFFFFE60];
	v12 =	vand.u32 $0xFFFF, v12;
	v54 =	vshra.s32 v50, $0x10;
	vm3 =	veq.s32 v16, v2  }
0xba: {  	v52 =	vld [tilespmem:s20+$0xFFFFFE70];
	v9 =	vand.u32 $0xFFFF, v9;
	v58 =	vshra.s32 v4, $0x10;
	vm4 =	veq.s32 v18, v2  }
0xbb: {  	v60 =	vshra.s32 v19, $0x10;
	v61 =	vshra.s32 v3, $0x10;
	vm5 =	veq.s32 v53, v2;
	[tilespmem:v6+s16+$0x0] =	vst.idx.add.s32.msk vm0, v1  }
0xbc: {  	v4 =	vand.u32 $0xFFFF, v4;
	v11 =	vand.u32 $0xFFFF, v50;
	vm14 =	veq.s32 v58, v2;
	[tilespmem:v7+s16+$0x0] =	vst.idx.add.s32.msk vm1, v1  }
0xbd: {  	vm0 =	veq.s32 v54, v2;
	v6 =	vshra.s32 v51, $0x10;
	v7 =	vshra.s32 v14, $0x10;
	[tilespmem:v8+s16+$0x0] =	vst.idx.add.s32.msk vm2, v1  }
0xbe: {  	vm1 =	veq.s32 v6, v2;
	vm2 =	veq.s32 v7, v2;
	v6 =	vld [tilespmem:s20+$0xFFFFFE10];
	v7 =	vshra.s32 v17, $0x10  }
0xbf: {  	vm15 =	veq.s32 v60, v2;
	[tilespmem:v10+s16+$0x0] =	vst.idx.add.s32.msk vm3, v1;
	vm6 =	veq.s32 v7, v2;
	v7 =	vand.u32 $0xFFFF, v14  }
0xc0: {  	v56 =	vshra.s32 v52, $0x10;
	v62 =	vand.u32 $0xFFFF, v19;
	vm7 =	veq.s32 v61, v2;
	[tilespmem:v12+s16+$0x0] =	vst.idx.add.s32.msk vm4, v1  }
0xc1: {  	v63 =	vand.u32 $0xFFFF, v3;
	vm3 =	veq.s32 v56, v2;
	[tilespmem:v9+s16+$0x0] =	vst.idx.add.s32.msk vm5, v1  }
0xc2: {  	v59 =	vand.u32 $0xFFFF, v52;
	v3 =	vshra.s32 v5, $0x10;
	[tilespmem:v4+s16+$0x0] =	vst.idx.add.s32.msk vm14, v1  }
0xc3: {  	v55 =	vand.u32 $0xFFFF, v51;
	[tilespmem:v11+s16+$0x0] =	vst.idx.add.s32.msk vm0, v1;
	vm0 =	veq.s32 v3, v2;
	v3 =	vshra.s32 v6, $0x10  }
0xc4: {  	v57 =	vand.u32 $0xFFFF, v17;
	[tilespmem:v7+s16+$0x0] =	vst.idx.add.s32.msk vm2, v1;
	vm2 =	veq.s32 v3, v2  }
0xc5: {  	[tilespmem:v62+s16+$0x0] =	vst.idx.add.s32.msk vm15, v1;
	v4 =	vand.u32 $0xFFFF, v6  }
0xc6: {  	[tilespmem:v63+s16+$0x0] =	vst.idx.add.s32.msk vm7, v1;
	v3 =	vand.u32 $0xFFFF, v5  }
0xc7: {  	[tilespmem:v59+s16+$0x0] =	vst.idx.add.s32.msk vm3, v1  }
0xc8: {  	[tilespmem:v55+s16+$0x0] =	vst.idx.add.s32.msk vm1, v1  }
0xc9: {  	s21 =	simm.s32 $0x0;
	[tilespmem:v57+s16+$0x0] =	vst.idx.add.s32.msk vm6, v1  }
.LBB2_9:
0xca: {  	s21 =	sadd.s32 $0x100, s21;
	[tilespmem:v4+s16+$0x0] =	vst.idx.add.s32.msk vm2, v1;
	s20 =	sadd.s32 $0x400, s20  }
0xcb: {  	p0 =	slt.u32 s21, $0xF00;
	[tilespmem:v3+s16+$0x0] =	vst.idx.add.s32.msk vm0, v1  }
0xcc: {  	v3 =	vld [tilespmem:s20+$0xFFFFFE20]  }
0xcd: {  	v5 =	vld [tilespmem:s20+$0xFFFFFE30]  }
0xce: {  	v4 =	vld [tilespmem:s20+$0xFFFFFE40]  }
0xcf: {  	v6 =	vld [tilespmem:s20+$0xFFFFFE00]  }
0xd0: {  	v7 =	vld [tilespmem:s20+$0x70]  }
0xd1: {  	v8 =	vld [tilespmem:s20+$0x60]  }
0xd2: {  	v9 =	vld [tilespmem:s20+$0x50]  }
0xd3: {  	v10 =	vld [tilespmem:s20+$0x40]  }
0xd4: {  	v11 =	vshra.s32 v6, $0x10;
	v12 =	vld [tilespmem:s20+$0x30]  }
0xd5: {  	vm1 =	veq.s32 v11, v2;
	v11 =	vld [tilespmem:s20+$0x20];
	v13 =	vshra.s32 v7, $0x10  }
0xd6: {  	v6 =	vand.u32 $0xFFFF, v6;
	v14 =	vld [tilespmem:s20+$0x10];
	v15 =	vshra.s32 v8, $0x10;
	vm3 =	veq.s32 v13, v2  }
0xd7: {  	v7 =	vand.u32 $0xFFFF, v7;
	v8 =	vand.u32 $0xFFFF, v8;
	v13 =	vld [tilespmem:s20+$0x0];
	vm4 =	veq.s32 v15, v2  }
0xd8: {  	v17 =	vshra.s32 v9, $0x10;
	v15 =	vld [tilespmem:s20+$0xFFFFFE70];
	v16 =	vshra.s32 v10, $0x10;
	v10 =	vand.u32 $0xFFFF, v10  }
0xd9: {  	v18 =	vld [tilespmem:s20+$0xFFFFFE60];
	v19 =	vshra.s32 v12, $0x10;
	v12 =	vand.u32 $0xFFFF, v12;
	vm5 =	veq.s32 v16, v2  }
0xda: {  	vm0 =	veq.s32 v17, v2;
	v16 =	vld [tilespmem:s20+$0xFFFFFE50];
	v20 =	vshra.s32 v11, $0x10;
	vm6 =	veq.s32 v19, v2  }
0xdb: {  	v11 =	vand.u32 $0xFFFF, v11;
	[tilespmem:v6+s16+$0x0] =	vst.idx.add.s32.msk vm1, v1;
	v6 =	vshra.s32 v14, $0x10;
	vm2 =	veq.s32 v20, v2  }
0xdc: {  	v17 =	vshra.s32 v13, $0x10;
	vm1 =	veq.s32 v6, v2;
	v6 =	vand.u32 $0xFFFF, v9;
	[tilespmem:v7+s16+$0x0] =	vst.idx.add.s32.msk vm3, v1  }
0xdd: {  	v7 =	vshra.s32 v15, $0x10;
	v9 =	vand.u32 $0xFFFF, v15;
	vm3 =	veq.s32 v17, v2;
	[tilespmem:v8+s16+$0x0] =	vst.idx.add.s32.msk vm4, v1  }
0xde: {  	v13 =	vand.u32 $0xFFFF, v13;
	v8 =	vld [tilespmem:s20+$0xFFFFFE10];
	v15 =	vshra.s32 v18, $0x10;
	v17 =	vand.u32 $0xFFFF, v18  }
0xdf: {  	v14 =	vand.u32 $0xFFFF, v14;
	v18 =	vand.u32 $0xFFFF, v16;
	vm4 =	veq.s32 v15, v2;
	[tilespmem:v10+s16+$0x0] =	vst.idx.add.s32.msk vm5, v1  }
0xe0: {  	v10 =	vshra.s32 v4, $0x10;
	v15 =	vshra.s32 v16, $0x10;
	vm5 =	veq.s32 v7, v2;
	[tilespmem:v12+s16+$0x0] =	vst.idx.add.s32.msk vm6, v1  }
0xe1: {  	v7 =	vshra.s32 v5, $0x10;
	vm6 =	veq.s32 v10, v2;
	vm7 =	veq.s32 v15, v2;
	[tilespmem:v6+s16+$0x0] =	vst.idx.add.s32.msk vm0, v1  }
0xe2: {  	v6 =	vshra.s32 v3, $0x10;
	vm0 =	veq.s32 v7, v2;
	v7 =	vand.u32 $0xFFFF, v4;
	[tilespmem:v11+s16+$0x0] =	vst.idx.add.s32.msk vm2, v1  }
0xe3: {  	vm8 =	veq.s32 v6, v2;
	v4 =	vshra.s32 v8, $0x10;
	[tilespmem:v13+s16+$0x0] =	vst.idx.add.s32.msk vm3, v1  }
0xe4: {  	v6 =	vand.u32 $0xFFFF, v3;
	vm2 =	veq.s32 v4, v2;
	[tilespmem:v14+s16+$0x0] =	vst.idx.add.s32.msk vm1, v1  }
.Ltmp3:
0xe5: {  	v3 =	vand.u32 $0xFFFF, v5;
	v4 =	vand.u32 $0xFFFF, v8;
	[tilespmem:v17+s16+$0x0] =	vst.idx.add.s32.msk vm4, v1;
	(pc) =	sbr.rel @p0 .LBB2_9-.Ltmp3, $4  }
0xe6: {  	[tilespmem:v9+s16+$0x0] =	vst.idx.add.s32.msk vm5, v1  }
0xe7: {  	[tilespmem:v7+s16+$0x0] =	vst.idx.add.s32.msk vm6, v1  }
0xe8: {  	[tilespmem:v18+s16+$0x0] =	vst.idx.add.s32.msk vm7, v1  }
0xe9: {  	[tilespmem:v6+s16+$0x0] =	vst.idx.add.s32.msk vm8, v1  }
0xea: {  	_ =	sdelay $0x4  }
0xeb: {  	[tilespmem:v4+s16+$0x0] =	vst.idx.add.s32.msk vm2, v1  }
0xec: {  	s20 =	simm.s32 $0x400;
	[tilespmem:v3+s16+$0x0] =	vst.idx.add.s32.msk vm0, v1  }
0xed: {  	v3 =	vld [tilespmem:s20+$0xFFFFFE50]  }
0xee: {  	v4 =	vld [tilespmem:s20+$0xFFFFFE00]  }
0xef: {  	v5 =	vld [tilespmem:s20+$0xFFFFFE30]  }
0xf0: {  	v6 =	vld [tilespmem:s20+$0x70]  }
0xf1: {  	v7 =	vld [tilespmem:s20+$0x60]  }
0xf2: {  	v8 =	vld [tilespmem:s20+$0x50]  }
0xf3: {  	v10 =	vld [tilespmem:s20+$0x40];
	v9 =	vshra.s32 v4, $0x10  }
0xf4: {  	v50 =	vld [tilespmem:s20+$0x30];
	vm0 =	veq.s32 v9, v2  }
0xf5: {  	v11 =	vld [tilespmem:s20+$0x20];
	v4 =	vand.u32 $0xFFFF, v4  }
0xf6: {  	v51 =	vld [tilespmem:s20+$0x0];
	v12 =	vshra.s32 v6, $0x10  }
0xf7: {  	v14 =	vld [tilespmem:s20+$0xFFFFFE70];
	v52 =	vshra.s32 v8, $0x10;
	vm1 =	veq.s32 v12, v2  }
0xf8: {  	v53 =	vld [tilespmem:s20+$0xFFFFFE40];
	v6 =	vand.u32 $0xFFFF, v6;
	v15 =	vshra.s32 v10, $0x10;
	vm3 =	veq.s32 v52, v2  }
0xf9: {  	v13 =	vld [tilespmem:s20+$0x10];
	v8 =	vand.u32 $0xFFFF, v8;
	vm2 =	veq.s32 v15, v2  }
0xfa: {  	v54 =	vshra.s32 v11, $0x10;
	[tilespmem:v4+s16+$0x0] =	vst.idx.add.s32.msk vm0, v1;
	v4 =	vand.u32 $0xFFFF, v10  }
0xfb: {  	v16 =	vld [tilespmem:s20+$0xFFFFFE60];
	v17 =	vshra.s32 v50, $0x10;
	v55 =	vshra.s32 v51, $0x10;
	vm4 =	veq.s32 v54, v2  }
0xfc: {  	v56 =	vld [tilespmem:s20+$0xFFFFFE20];
	v11 =	vand.u32 $0xFFFF, v11;
	v57 =	vshra.s32 v14, $0x10;
	vm0 =	veq.s32 v17, v2  }
0xfd: {  	v59 =	vshra.s32 v53, $0x10;
	v9 =	vand.u32 $0xFFFF, v50;
	[tilespmem:v6+s16+$0x0] =	vst.idx.add.s32.msk vm1, v1;
	vm1 =	veq.s32 v55, v2  }
0xfe: {  	v61 =	vshra.s32 v3, $0x10;
	v12 =	vand.u32 $0xFFFF, v51;
	vm6 =	veq.s32 v57, v2;
	[tilespmem:v8+s16+$0x0] =	vst.idx.add.s32.msk vm3, v1  }
0xff: {  	vm7 =	veq.s32 v59, v2;
	v6 =	vshra.s32 v7, $0x10;
	[tilespmem:v4+s16+$0x0] =	vst.idx.add.s32.msk vm2, v1;
	v4 =	vand.u32 $0xFFFF, v14  }
0x100: {  	v62 =	vand.u32 $0xFFFF, v53;
	vm8 =	veq.s32 v61, v2;
	vm5 =	veq.s32 v6, v2;
	v6 =	vld [tilespmem:s20+$0xFFFFFE10]  }
0x101: {  	v18 =	vshra.s32 v13, $0x10;
	v63 =	vand.u32 $0xFFFF, v3;
	[tilespmem:v11+s16+$0x0] =	vst.idx.add.s32.msk vm4, v1  }
0x102: {  	v58 =	vshra.s32 v16, $0x10;
	v7 =	vand.u32 $0xFFFF, v7;
	vm2 =	veq.s32 v18, v2;
	[tilespmem:v9+s16+$0x0] =	vst.idx.add.s32.msk vm0, v1  }
0x103: {  	v13 =	vand.u32 $0xFFFF, v13;
	v3 =	vshra.s32 v5, $0x10;
	vm0 =	veq.s32 v58, v2;
	[tilespmem:v12+s16+$0x0] =	vst.idx.add.s32.msk vm1, v1  }
0x104: {  	v60 =	vand.u32 $0xFFFF, v16;
	vm1 =	veq.s32 v3, v2;
	[tilespmem:v4+s16+$0x0] =	vst.idx.add.s32.msk vm6, v1;
	v4 =	vshra.s32 v56, $0x10  }
0x105: {  	v5 =	vand.u32 $0xFFFF, v5;
	[tilespmem:v62+s16+$0x0] =	vst.idx.add.s32.msk vm7, v1;
	v3 =	vshra.s32 v6, $0x10;
	vm3 =	veq.s32 v4, v2  }
0x106: {  	[tilespmem:v63+s16+$0x0] =	vst.idx.add.s32.msk vm8, v1;
	vm4 =	veq.s32 v3, v2;
	v3 =	vand.u32 $0xFFFF, v56  }
0x107: {  	[tilespmem:v7+s16+$0x0] =	vst.idx.add.s32.msk vm5, v1;
	v4 =	vand.u32 $0xFFFF, v6  }
0x108: {  	[tilespmem:v13+s16+$0x0] =	vst.idx.add.s32.msk vm2, v1  }
0x109: {  	s21 =	simm.s32 $0x0;
	[tilespmem:v60+s16+$0x0] =	vst.idx.add.s32.msk vm0, v1  }
.LBB2_11:
0x10a: {  	s21 =	sadd.s32 $0x100, s21;
	[tilespmem:v5+s16+$0x0] =	vst.idx.add.s32.msk vm1, v1;
	s20 =	sadd.s32 $0x400, s20  }
0x10b: {  	p0 =	slt.u32 s21, $0xF00;
	[tilespmem:v3+s16+$0x0] =	vst.idx.add.s32.msk vm3, v1  }
0x10c: {  	[tilespmem:v4+s16+$0x0] =	vst.idx.add.s32.msk vm4, v1  }
0x10d: {  	v3 =	vld [tilespmem:s20+$0xFFFFFE50]  }
0x10e: {  	v4 =	vld [tilespmem:s20+$0xFFFFFE00]  }
0x10f: {  	v5 =	vld [tilespmem:s20+$0xFFFFFE30]  }
0x110: {  	v6 =	vld [tilespmem:s20+$0x70]  }
0x111: {  	v7 =	vld [tilespmem:s20+$0x60]  }
0x112: {  	v8 =	vld [tilespmem:s20+$0x50]  }
0x113: {  	v9 =	vshra.s32 v4, $0x10;
	v10 =	vld [tilespmem:s20+$0x40]  }
0x114: {  	vm2 =	veq.s32 v9, v2;
	v9 =	vld [tilespmem:s20+$0x30]  }
0x115: {  	v4 =	vand.u32 $0xFFFF, v4;
	v11 =	vld [tilespmem:s20+$0x20];
	v12 =	vshra.s32 v6, $0x10  }
0x116: {  	v13 =	vld [tilespmem:s20+$0x10];
	v14 =	vshra.s32 v7, $0x10;
	vm3 =	veq.s32 v12, v2  }
0x117: {  	v6 =	vand.u32 $0xFFFF, v6;
	v12 =	vld [tilespmem:s20+$0x0];
	v15 =	vshra.s32 v8, $0x10  }
0x118: {  	v7 =	vand.u32 $0xFFFF, v7;
	vm0 =	veq.s32 v14, v2;
	v16 =	vld [tilespmem:s20+$0xFFFFFE70];
	v17 =	vshra.s32 v10, $0x10  }
0x119: {  	vm1 =	veq.s32 v15, v2;
	v14 =	vld [tilespmem:s20+$0xFFFFFE60];
	v18 =	vshra.s32 v9, $0x10;
	vm4 =	veq.s32 v17, v2  }
0x11a: {  	v10 =	vand.u32 $0xFFFF, v10;
	[tilespmem:v4+s16+$0x0] =	vst.idx.add.s32.msk vm2, v1;
	v4 =	vand.u32 $0xFFFF, v11;
	vm5 =	veq.s32 v18, v2  }
0x11b: {  	v9 =	vand.u32 $0xFFFF, v9;
	v11 =	vshra.s32 v11, $0x10;
	v15 =	vld [tilespmem:s20+$0xFFFFFE40];
	v17 =	vshra.s32 v13, $0x10  }
0x11c: {  	v8 =	vand.u32 $0xFFFF, v8;
	vm6 =	veq.s32 v11, v2;
	v18 =	vshra.s32 v12, $0x10;
	[tilespmem:v6+s16+$0x0] =	vst.idx.add.s32.msk vm3, v1  }
0x11d: {  	vm2 =	veq.s32 v17, v2;
	v6 =	vld [tilespmem:s20+$0xFFFFFE20];
	v11 =	vand.u32 $0xFFFF, v16;
	vm7 =	veq.s32 v18, v2  }
0x11e: {  	v12 =	vand.u32 $0xFFFF, v12;
	v16 =	vshra.s32 v16, $0x10;
	v17 =	vld [tilespmem:s20+$0xFFFFFE10];
	v18 =	vand.u32 $0xFFFF, v14  }
0x11f: {  	v19 =	vand.u32 $0xFFFF, v3;
	v14 =	vshra.s32 v14, $0x10;
	vm8 =	veq.s32 v16, v2;
	[tilespmem:v10+s16+$0x0] =	vst.idx.add.s32.msk vm4, v1  }
0x120: {  	v3 =	vshra.s32 v3, $0x10;
	v13 =	vand.u32 $0xFFFF, v13;
	v10 =	vshra.s32 v15, $0x10;
	[tilespmem:v9+s16+$0x0] =	vst.idx.add.s32.msk vm5, v1  }
0x121: {  	vm9 =	veq.s32 v14, v2;
	v9 =	vshra.s32 v5, $0x10;
	vm5 =	veq.s32 v10, v2;
	[tilespmem:v8+s16+$0x0] =	vst.idx.add.s32.msk vm1, v1  }
0x122: {  	vm1 =	veq.s32 v9, v2;
	v9 =	vand.u32 $0xFFFF, v15;
	v8 =	vshra.s32 v6, $0x10;
	[tilespmem:v4+s16+$0x0] =	vst.idx.add.s32.msk vm6, v1  }
0x123: {  	vm6 =	veq.s32 v3, v2;
	v4 =	vshra.s32 v17, $0x10;
	vm3 =	veq.s32 v8, v2;
	[tilespmem:v12+s16+$0x0] =	vst.idx.add.s32.msk vm7, v1  }
0x124: {  	v5 =	vand.u32 $0xFFFF, v5;
	v3 =	vand.u32 $0xFFFF, v6;
	vm4 =	veq.s32 v4, v2;
	[tilespmem:v7+s16+$0x0] =	vst.idx.add.s32.msk vm0, v1  }
.Ltmp4:
0x125: {  	v4 =	vand.u32 $0xFFFF, v17;
	[tilespmem:v11+s16+$0x0] =	vst.idx.add.s32.msk vm8, v1;
	(pc) =	sbr.rel @p0 .LBB2_11-.Ltmp4, $4  }
0x126: {  	[tilespmem:v13+s16+$0x0] =	vst.idx.add.s32.msk vm2, v1  }
0x127: {  	[tilespmem:v18+s16+$0x0] =	vst.idx.add.s32.msk vm9, v1  }
0x128: {  	[tilespmem:v9+s16+$0x0] =	vst.idx.add.s32.msk vm5, v1  }
0x129: {  	[tilespmem:v19+s16+$0x0] =	vst.idx.add.s32.msk vm6, v1  }
0x12a: {  	_ =	sdelay $0x4  }
0x12b: {  	[tilespmem:v5+s16+$0x0] =	vst.idx.add.s32.msk vm1, v1;
	p0 =	seq.s32 s18, $0xF  }
0x12c: {  	[tilespmem:v3+s16+$0x0] =	vst.idx.add.s32.msk vm3, v1;
	s19 =	sadd.s32 @!p0 s19, s7  }
0x12d: {  	[tilespmem:v4+s16+$0x0] =	vst.idx.add.s32.msk vm4, v1;
	s20 =	simm.s32 @!p0 $0x200;
	s21 =	simm.s32 @!p0 $0x400;
	s22 =	simm.s32 @!p0 $0x80  }
0x12e: {  	[tilespmem:s22], [sflag:$0x1] =	stream.strided.gather @!p0 [hbm4b:s19+s20], $0x4000, s21, s20, $0x38;
	[tilespmem:$0x18080] =	vst v63  }
0x12f: {  	_ =	swait.ge [sflag:s17], $0x4000  }
0x130: {  	[sflag:s17] =	ssyncset.done $0x0  }
0x131: {  	s19 =	simm.s32 $0x4280;
	[sflag:s17] =	ssyncadd.s32 $0xFFFFC000  }
0x132: {  	v3 =	vld [tilespmem:s19+$0xFFFFFE20]  }
0x133: {  	v5 =	vld [tilespmem:s19+$0xFFFFFE30]  }
0x134: {  	v6 =	vld [tilespmem:s19+$0xFFFFFE00]  }
0x135: {  	v7 =	vld [tilespmem:s19+$0x70]  }
0x136: {  	v8 =	vld [tilespmem:s19+$0x60]  }
0x137: {  	v9 =	vld [tilespmem:s19+$0x50]  }
0x138: {  	v10 =	vld [tilespmem:s19+$0x40]  }
0x139: {  	v12 =	vld [tilespmem:s19+$0x30]  }
0x13a: {  	v50 =	vld [tilespmem:s19+$0x20];
	v11 =	vshra.s32 v6, $0x10  }
0x13b: {  	v4 =	vld [tilespmem:s19+$0xFFFFFE40];
	v13 =	vshra.s32 v7, $0x10;
	v6 =	vand.u32 $0xFFFF, v6;
	vm0 =	veq.s32 v11, v2  }
0x13c: {  	v19 =	vld [tilespmem:s19+$0xFFFFFE50];
	v15 =	vshra.s32 v8, $0x10;
	v7 =	vand.u32 $0xFFFF, v7;
	vm1 =	veq.s32 v13, v2  }
0x13d: {  	v14 =	vld [tilespmem:s19+$0x10];
	v8 =	vand.u32 $0xFFFF, v8;
	v16 =	vshra.s32 v10, $0x10;
	vm2 =	veq.s32 v15, v2  }
0x13e: {  	v51 =	vld [tilespmem:s19+$0x0];
	v18 =	vshra.s32 v12, $0x10;
	v10 =	vand.u32 $0xFFFF, v10;
	v53 =	vshra.s32 v9, $0x10  }
0x13f: {  	v17 =	vld [tilespmem:s19+$0xFFFFFE60];
	v12 =	vand.u32 $0xFFFF, v12;
	v54 =	vshra.s32 v50, $0x10;
	vm3 =	veq.s32 v16, v2  }
0x140: {  	v52 =	vld [tilespmem:s19+$0xFFFFFE70];
	v9 =	vand.u32 $0xFFFF, v9;
	v58 =	vshra.s32 v4, $0x10;
	vm13 =	veq.s32 v18, v2  }
0x141: {  	v60 =	vshra.s32 v19, $0x10;
	v61 =	vshra.s32 v3, $0x10;
	vm5 =	veq.s32 v53, v2;
	[tilespmem:v6+s16+$0x0] =	vst.idx.add.s32.msk vm0, v1  }
0x142: {  	v4 =	vand.u32 $0xFFFF, v4;
	v11 =	vand.u32 $0xFFFF, v50;
	vm14 =	veq.s32 v58, v2;
	[tilespmem:v7+s16+$0x0] =	vst.idx.add.s32.msk vm1, v1  }
0x143: {  	vm0 =	veq.s32 v54, v2;
	v6 =	vshra.s32 v51, $0x10;
	v7 =	vshra.s32 v14, $0x10;
	[tilespmem:v8+s16+$0x0] =	vst.idx.add.s32.msk vm2, v1  }
0x144: {  	vm1 =	veq.s32 v6, v2;
	vm2 =	veq.s32 v7, v2;
	v6 =	vld [tilespmem:s19+$0xFFFFFE10];
	v7 =	vshra.s32 v17, $0x10  }
0x145: {  	vm15 =	veq.s32 v60, v2;
	[tilespmem:v10+s16+$0x0] =	vst.idx.add.s32.msk vm3, v1;
	vm6 =	veq.s32 v7, v2;
	v7 =	vand.u32 $0xFFFF, v14  }
0x146: {  	v56 =	vshra.s32 v52, $0x10;
	v62 =	vand.u32 $0xFFFF, v19;
	vm7 =	veq.s32 v61, v2;
	[tilespmem:v12+s16+$0x0] =	vst.idx.add.s32.msk vm13, v1  }
0x147: {  	v63 =	vand.u32 $0xFFFF, v3;
	vm3 =	veq.s32 v56, v2;
	[tilespmem:v9+s16+$0x0] =	vst.idx.add.s32.msk vm5, v1  }
0x148: {  	v59 =	vand.u32 $0xFFFF, v52;
	v3 =	vshra.s32 v5, $0x10;
	[tilespmem:v4+s16+$0x0] =	vst.idx.add.s32.msk vm14, v1  }
0x149: {  	v55 =	vand.u32 $0xFFFF, v51;
	[tilespmem:v11+s16+$0x0] =	vst.idx.add.s32.msk vm0, v1;
	vm0 =	veq.s32 v3, v2;
	v3 =	vshra.s32 v6, $0x10  }
0x14a: {  	v57 =	vand.u32 $0xFFFF, v17;
	[tilespmem:v7+s16+$0x0] =	vst.idx.add.s32.msk vm2, v1;
	vm2 =	veq.s32 v3, v2  }
0x14b: {  	[tilespmem:v62+s16+$0x0] =	vst.idx.add.s32.msk vm15, v1;
	v4 =	vand.u32 $0xFFFF, v6  }
0x14c: {  	[tilespmem:v63+s16+$0x0] =	vst.idx.add.s32.msk vm7, v1;
	v3 =	vand.u32 $0xFFFF, v5  }
0x14d: {  	[tilespmem:v59+s16+$0x0] =	vst.idx.add.s32.msk vm3, v1  }
0x14e: {  	[tilespmem:v55+s16+$0x0] =	vst.idx.add.s32.msk vm1, v1  }
0x14f: {  	s21 =	simm.s32 $0x0;
	[tilespmem:v57+s16+$0x0] =	vst.idx.add.s32.msk vm6, v1  }
.LBB2_13:
0x150: {  	s21 =	sadd.s32 $0x100, s21;
	[tilespmem:v4+s16+$0x0] =	vst.idx.add.s32.msk vm2, v1;
	s19 =	sadd.s32 $0x400, s19;
	s20 =	simm.s32 $0x4300  }
0x151: {  	p0 =	slt.u32 s21, $0xF00;
	[tilespmem:v3+s16+$0x0] =	vst.idx.add.s32.msk vm0, v1  }
0x152: {  	v3 =	vld [tilespmem:s19+$0xFFFFFE20]  }
0x153: {  	v5 =	vld [tilespmem:s19+$0xFFFFFE30]  }
0x154: {  	v4 =	vld [tilespmem:s19+$0xFFFFFE40]  }
0x155: {  	v6 =	vld [tilespmem:s19+$0xFFFFFE00]  }
0x156: {  	v7 =	vld [tilespmem:s19+$0x70]  }
0x157: {  	v8 =	vld [tilespmem:s19+$0x60]  }
0x158: {  	v9 =	vld [tilespmem:s19+$0x50]  }
0x159: {  	v10 =	vld [tilespmem:s19+$0x40]  }
0x15a: {  	v11 =	vshra.s32 v6, $0x10;
	v12 =	vld [tilespmem:s19+$0x30]  }
0x15b: {  	vm1 =	veq.s32 v11, v2;
	v11 =	vld [tilespmem:s19+$0x20];
	v13 =	vshra.s32 v7, $0x10  }
0x15c: {  	v6 =	vand.u32 $0xFFFF, v6;
	v14 =	vld [tilespmem:s19+$0x10];
	v15 =	vshra.s32 v8, $0x10;
	vm3 =	veq.s32 v13, v2  }
0x15d: {  	v7 =	vand.u32 $0xFFFF, v7;
	v8 =	vand.u32 $0xFFFF, v8;
	v13 =	vld [tilespmem:s19+$0x0];
	vm4 =	veq.s32 v15, v2  }
0x15e: {  	v17 =	vshra.s32 v9, $0x10;
	v15 =	vld [tilespmem:s19+$0xFFFFFE70];
	v16 =	vshra.s32 v10, $0x10;
	v10 =	vand.u32 $0xFFFF, v10  }
0x15f: {  	v18 =	vld [tilespmem:s19+$0xFFFFFE60];
	v19 =	vshra.s32 v12, $0x10;
	v12 =	vand.u32 $0xFFFF, v12;
	vm5 =	veq.s32 v16, v2  }
0x160: {  	vm0 =	veq.s32 v17, v2;
	v16 =	vld [tilespmem:s19+$0xFFFFFE50];
	v20 =	vshra.s32 v11, $0x10;
	vm6 =	veq.s32 v19, v2  }
0x161: {  	v11 =	vand.u32 $0xFFFF, v11;
	[tilespmem:v6+s16+$0x0] =	vst.idx.add.s32.msk vm1, v1;
	v6 =	vshra.s32 v14, $0x10;
	vm2 =	veq.s32 v20, v2  }
0x162: {  	v17 =	vshra.s32 v13, $0x10;
	vm1 =	veq.s32 v6, v2;
	v6 =	vand.u32 $0xFFFF, v9;
	[tilespmem:v7+s16+$0x0] =	vst.idx.add.s32.msk vm3, v1  }
0x163: {  	v7 =	vshra.s32 v15, $0x10;
	v9 =	vand.u32 $0xFFFF, v15;
	vm3 =	veq.s32 v17, v2;
	[tilespmem:v8+s16+$0x0] =	vst.idx.add.s32.msk vm4, v1  }
0x164: {  	v13 =	vand.u32 $0xFFFF, v13;
	v8 =	vld [tilespmem:s19+$0xFFFFFE10];
	v15 =	vshra.s32 v18, $0x10;
	v17 =	vand.u32 $0xFFFF, v18  }
0x165: {  	v14 =	vand.u32 $0xFFFF, v14;
	v18 =	vand.u32 $0xFFFF, v16;
	vm4 =	veq.s32 v15, v2;
	[tilespmem:v10+s16+$0x0] =	vst.idx.add.s32.msk vm5, v1  }
0x166: {  	v10 =	vshra.s32 v4, $0x10;
	v15 =	vshra.s32 v16, $0x10;
	vm5 =	veq.s32 v7, v2;
	[tilespmem:v12+s16+$0x0] =	vst.idx.add.s32.msk vm6, v1  }
0x167: {  	v7 =	vshra.s32 v5, $0x10;
	vm6 =	veq.s32 v10, v2;
	vm7 =	veq.s32 v15, v2;
	[tilespmem:v6+s16+$0x0] =	vst.idx.add.s32.msk vm0, v1  }
0x168: {  	v6 =	vshra.s32 v3, $0x10;
	vm0 =	veq.s32 v7, v2;
	v7 =	vand.u32 $0xFFFF, v4;
	[tilespmem:v11+s16+$0x0] =	vst.idx.add.s32.msk vm2, v1  }
0x169: {  	vm8 =	veq.s32 v6, v2;
	v4 =	vshra.s32 v8, $0x10;
	[tilespmem:v13+s16+$0x0] =	vst.idx.add.s32.msk vm3, v1  }
0x16a: {  	v6 =	vand.u32 $0xFFFF, v3;
	vm2 =	veq.s32 v4, v2;
	[tilespmem:v14+s16+$0x0] =	vst.idx.add.s32.msk vm1, v1  }
.Ltmp5:
0x16b: {  	v3 =	vand.u32 $0xFFFF, v5;
	v4 =	vand.u32 $0xFFFF, v8;
	[tilespmem:v17+s16+$0x0] =	vst.idx.add.s32.msk vm4, v1;
	(pc) =	sbr.rel @p0 .LBB2_13-.Ltmp5, $4  }
0x16c: {  	[tilespmem:v9+s16+$0x0] =	vst.idx.add.s32.msk vm5, v1  }
0x16d: {  	[tilespmem:v7+s16+$0x0] =	vst.idx.add.s32.msk vm6, v1  }
0x16e: {  	[tilespmem:v18+s16+$0x0] =	vst.idx.add.s32.msk vm7, v1  }
0x16f: {  	[tilespmem:v6+s16+$0x0] =	vst.idx.add.s32.msk vm8, v1  }
0x170: {  	_ =	sdelay $0x4  }
0x171: {  	[tilespmem:v4+s16+$0x0] =	vst.idx.add.s32.msk vm2, v1  }
0x172: {  	[tilespmem:v3+s16+$0x0] =	vst.idx.add.s32.msk vm0, v1  }
0x173: {  	v4 =	vld [tilespmem:s20+$0xFFFFFE20]  }
0x174: {  	v3 =	vld [tilespmem:s20+$0xFFFFFE30]  }
0x175: {  	v6 =	vld [tilespmem:s20+$0x70]  }
0x176: {  	v7 =	vld [tilespmem:s20+$0x60]  }
0x177: {  	v5 =	vld [tilespmem:s20+$0xFFFFFE00]  }
0x178: {  	v9 =	vld [tilespmem:s20+$0x40]  }
0x179: {  	v10 =	vld [tilespmem:s20+$0x30]  }
0x17a: {  	v11 =	vld [tilespmem:s20+$0x20];
	v12 =	vshra.s32 v6, $0x10  }
0x17b: {  	v8 =	vld [tilespmem:s20+$0x50];
	v14 =	vshra.s32 v7, $0x10;
	vm0 =	veq.s32 v12, v2  }
0x17c: {  	v51 =	vld [tilespmem:s20+$0x0];
	v6 =	vand.u32 $0xFFFF, v6;
	vm1 =	veq.s32 v14, v2  }
0x17d: {  	v52 =	vld [tilespmem:s20+$0xFFFFFE70];
	v15 =	vshra.s32 v9, $0x10;
	v7 =	vand.u32 $0xFFFF, v7  }
0x17e: {  	v13 =	vld [tilespmem:s20+$0x10];
	vm2 =	veq.s32 v15, v2  }
0x17f: {  	v53 =	vld [tilespmem:s20+$0xFFFFFE50];
	v17 =	vshra.s32 v10, $0x10;
	v18 =	vshra.s32 v11, $0x10;
	v9 =	vand.u32 $0xFFFF, v9  }
0x180: {  	v19 =	vld [tilespmem:s20+$0xFFFFFE40];
	v54 =	vshra.s32 v8, $0x10;
	v10 =	vand.u32 $0xFFFF, v10;
	vm3 =	veq.s32 v17, v2  }
0x181: {  	v11 =	vand.u32 $0xFFFF, v11;
	vm4 =	veq.s32 v18, v2;
	[tilespmem:v6+s16+$0x0] =	vst.idx.add.s32.msk vm0, v1;
	v6 =	vshra.s32 v5, $0x10  }
0x182: {  	v55 =	vshra.s32 v51, $0x10;
	[tilespmem:v7+s16+$0x0] =	vst.idx.add.s32.msk vm1, v1;
	vm1 =	veq.s32 v6, v2;
	v6 =	vshra.s32 v52, $0x10  }
0x183: {  	v16 =	vld [tilespmem:s20+$0xFFFFFE60];
	v56 =	vshra.s32 v13, $0x10;
	v5 =	vand.u32 $0xFFFF, v5;
	vm6 =	veq.s32 v6, v2  }
0x184: {  	v8 =	vand.u32 $0xFFFF, v8;
	[tilespmem:v9+s16+$0x0] =	vst.idx.add.s32.msk vm2, v1;
	vm2 =	veq.s32 v56, v2;
	v6 =	vand.u32 $0xFFFF, v52  }
0x185: {  	v57 =	vshra.s32 v19, $0x10;
	v58 =	vand.u32 $0xFFFF, v13;
	vm0 =	veq.s32 v55, v2;
	v7 =	vld [tilespmem:s20+$0xFFFFFE10]  }
0x186: {  	v59 =	vshra.s32 v53, $0x10;
	vm5 =	veq.s32 v54, v2;
	v12 =	vand.u32 $0xFFFF, v51;
	[tilespmem:v10+s16+$0x0] =	vst.idx.add.s32.msk vm3, v1  }
0x187: {  	v60 =	vshra.s32 v3, $0x10;
	v61 =	vand.u32 $0xFFFF, v19;
	vm14 =	veq.s32 v59, v2;
	[tilespmem:v11+s16+$0x0] =	vst.idx.add.s32.msk vm4, v1  }
0x188: {  	v62 =	vand.u32 $0xFFFF, v53;
	v63 =	vand.u32 $0xFFFF, v3;
	vm15 =	veq.s32 v60, v2;
	[tilespmem:v5+s16+$0x0] =	vst.idx.add.s32.msk vm1, v1  }
0x189: {  	vm3 =	veq.s32 v57, v2;
	v5 =	vshra.s32 v4, $0x10;
	[tilespmem:v6+s16+$0x0] =	vst.idx.add.s32.msk vm6, v1;
	v6 =	vshra.s32 v16, $0x10  }
0x18a: {  	[tilespmem:v58+s16+$0x0] =	vst.idx.add.s32.msk vm2, v1;
	vm2 =	veq.s32 v5, v2;
	vm1 =	veq.s32 v6, v2;
	v6 =	vshra.s32 v7, $0x10  }
0x18b: {  	[tilespmem:v12+s16+$0x0] =	vst.idx.add.s32.msk vm0, v1;
	v5 =	vand.u32 $0xFFFF, v4;
	vm0 =	veq.s32 v6, v2  }
0x18c: {  	[tilespmem:v8+s16+$0x0] =	vst.idx.add.s32.msk vm5, v1;
	v4 =	vand.u32 $0xFFFF, v7  }
0x18d: {  	v3 =	vand.u32 $0xFFFF, v16;
	[tilespmem:v62+s16+$0x0] =	vst.idx.add.s32.msk vm14, v1  }
0x18e: {  	[tilespmem:v63+s16+$0x0] =	vst.idx.add.s32.msk vm15, v1  }
0x18f: {  	s21 =	simm.s32 $0x0;
	s19 =	simm.s32 $0x4380;
	[tilespmem:v61+s16+$0x0] =	vst.idx.add.s32.msk vm3, v1  }
.LBB2_15:
0x190: {  	s21 =	sadd.s32 $0x100, s21;
	[tilespmem:v5+s16+$0x0] =	vst.idx.add.s32.msk vm2, v1;
	s20 =	sadd.s32 $0x400, s20  }
0x191: {  	p0 =	slt.u32 s21, $0xF00;
	[tilespmem:v4+s16+$0x0] =	vst.idx.add.s32.msk vm0, v1  }
0x192: {  	[tilespmem:v3+s16+$0x0] =	vst.idx.add.s32.msk vm1, v1  }
0x193: {  	v4 =	vld [tilespmem:s20+$0xFFFFFE20]  }
0x194: {  	v5 =	vld [tilespmem:s20+$0xFFFFFE30]  }
0x195: {  	v3 =	vld [tilespmem:s20+$0xFFFFFE00]  }
0x196: {  	v6 =	vld [tilespmem:s20+$0x70]  }
0x197: {  	v7 =	vld [tilespmem:s20+$0x60]  }
0x198: {  	v8 =	vld [tilespmem:s20+$0x50]  }
0x199: {  	v9 =	vld [tilespmem:s20+$0x40]  }
0x19a: {  	v10 =	vshra.s32 v3, $0x10;
	v11 =	vld [tilespmem:s20+$0x30]  }
0x19b: {  	v13 =	vshra.s32 v4, $0x10;
	v12 =	vand.u32 $0xFFFF, v3;
	v3 =	vld [tilespmem:s20+$0x20];
	v14 =	vshra.s32 v6, $0x10  }
0x19c: {  	vm0 =	veq.s32 v10, v2;
	v10 =	vld [tilespmem:s20+$0x10];
	v15 =	vshra.s32 v7, $0x10;
	vm1 =	veq.s32 v14, v2  }
0x19d: {  	v6 =	vand.u32 $0xFFFF, v6;
	v14 =	vld [tilespmem:s20+$0x0];
	v16 =	vshra.s32 v8, $0x10;
	vm3 =	veq.s32 v15, v2  }
0x19e: {  	v7 =	vand.u32 $0xFFFF, v7;
	v8 =	vand.u32 $0xFFFF, v8;
	v15 =	vld [tilespmem:s20+$0xFFFFFE70];
	v17 =	vshra.s32 v9, $0x10  }
0x19f: {  	vm2 =	veq.s32 v16, v2;
	v18 =	vld [tilespmem:s20+$0xFFFFFE60];
	v19 =	vshra.s32 v11, $0x10;
	vm4 =	veq.s32 v17, v2  }
0x1a0: {  	v9 =	vand.u32 $0xFFFF, v9;
	v16 =	vld [tilespmem:s20+$0xFFFFFE50];
	v17 =	vshra.s32 v3, $0x10;
	vm5 =	veq.s32 v19, v2  }
0x1a1: {  	v11 =	vand.u32 $0xFFFF, v11;
	v19 =	vld [tilespmem:s20+$0xFFFFFE40];
	vm6 =	veq.s32 v17, v2;
	v17 =	vand.u32 $0xFFFF, v3  }
0x1a2: {  	v20 =	vshra.s32 v10, $0x10;
	v10 =	vand.u32 $0xFFFF, v10;
	v3 =	vshra.s32 v14, $0x10;
	[tilespmem:v6+s16+$0x0] =	vst.idx.add.s32.msk vm1, v1  }
0x1a3: {  	v6 =	vshra.s32 v15, $0x10;
	v15 =	vand.u32 $0xFFFF, v15;
	vm7 =	veq.s32 v3, v2;
	[tilespmem:v7+s16+$0x0] =	vst.idx.add.s32.msk vm3, v1  }
0x1a4: {  	v14 =	vand.u32 $0xFFFF, v14;
	v7 =	vld [tilespmem:s20+$0xFFFFFE10];
	v21 =	vshra.s32 v18, $0x10;
	v3 =	vand.u32 $0xFFFF, v18  }
0x1a5: {  	vm3 =	veq.s32 v6, v2;
	v18 =	vshra.s32 v16, $0x10;
	vm1 =	veq.s32 v21, v2;
	[tilespmem:v9+s16+$0x0] =	vst.idx.add.s32.msk vm4, v1  }
0x1a6: {  	v9 =	vand.u32 $0xFFFF, v16;
	vm4 =	veq.s32 v20, v2;
	v6 =	vshra.s32 v19, $0x10;
	[tilespmem:v11+s16+$0x0] =	vst.idx.add.s32.msk vm5, v1  }
0x1a7: {  	v16 =	vand.u32 $0xFFFF, v5;
	v11 =	vshra.s32 v5, $0x10;
	vm5 =	veq.s32 v6, v2;
	[tilespmem:v17+s16+$0x0] =	vst.idx.add.s32.msk vm6, v1  }
0x1a8: {  	vm8 =	veq.s32 v18, v2;
	vm6 =	veq.s32 v11, v2;
	v6 =	vand.u32 $0xFFFF, v19;
	[tilespmem:v8+s16+$0x0] =	vst.idx.add.s32.msk vm2, v1  }
0x1a9: {  	vm2 =	veq.s32 v13, v2;
	v5 =	vshra.s32 v7, $0x10;
	[tilespmem:v14+s16+$0x0] =	vst.idx.add.s32.msk vm7, v1  }
0x1aa: {  	[tilespmem:v12+s16+$0x0] =	vst.idx.add.s32.msk vm0, v1;
	vm0 =	veq.s32 v5, v2;
	v5 =	vand.u32 $0xFFFF, v4  }
.Ltmp6:
0x1ab: {  	v4 =	vand.u32 $0xFFFF, v7;
	[tilespmem:v15+s16+$0x0] =	vst.idx.add.s32.msk vm3, v1;
	(pc) =	sbr.rel @p0 .LBB2_15-.Ltmp6, $4  }
0x1ac: {  	[tilespmem:v10+s16+$0x0] =	vst.idx.add.s32.msk vm4, v1  }
0x1ad: {  	[tilespmem:v6+s16+$0x0] =	vst.idx.add.s32.msk vm5, v1  }
0x1ae: {  	[tilespmem:v9+s16+$0x0] =	vst.idx.add.s32.msk vm8, v1  }
0x1af: {  	[tilespmem:v16+s16+$0x0] =	vst.idx.add.s32.msk vm6, v1  }
0x1b0: {  	_ =	sdelay $0x4  }
0x1b1: {  	[tilespmem:v5+s16+$0x0] =	vst.idx.add.s32.msk vm2, v1  }
0x1b2: {  	[tilespmem:v4+s16+$0x0] =	vst.idx.add.s32.msk vm0, v1  }
0x1b3: {  	[tilespmem:v3+s16+$0x0] =	vst.idx.add.s32.msk vm1, v1  }
0x1b4: {  	v3 =	vld [tilespmem:s19+$0xFFFFFE20]  }
0x1b5: {  	v5 =	vld [tilespmem:s19+$0xFFFFFE30]  }
0x1b6: {  	v6 =	vld [tilespmem:s19+$0xFFFFFE00]  }
0x1b7: {  	v7 =	vld [tilespmem:s19+$0x70]  }
0x1b8: {  	v8 =	vld [tilespmem:s19+$0x60]  }
0x1b9: {  	v9 =	vld [tilespmem:s19+$0x50]  }
0x1ba: {  	v10 =	vld [tilespmem:s19+$0x40]  }
0x1bb: {  	v12 =	vld [tilespmem:s19+$0x30]  }
0x1bc: {  	v50 =	vld [tilespmem:s19+$0x20];
	v11 =	vshra.s32 v6, $0x10  }
0x1bd: {  	v4 =	vld [tilespmem:s19+$0xFFFFFE40];
	v13 =	vshra.s32 v7, $0x10;
	v6 =	vand.u32 $0xFFFF, v6;
	vm0 =	veq.s32 v11, v2  }
0x1be: {  	v19 =	vld [tilespmem:s19+$0xFFFFFE50];
	v15 =	vshra.s32 v8, $0x10;
	v7 =	vand.u32 $0xFFFF, v7;
	vm1 =	veq.s32 v13, v2  }
0x1bf: {  	v14 =	vld [tilespmem:s19+$0x10];
	v8 =	vand.u32 $0xFFFF, v8;
	v16 =	vshra.s32 v10, $0x10;
	vm2 =	veq.s32 v15, v2  }
0x1c0: {  	v51 =	vld [tilespmem:s19+$0x0];
	v18 =	vshra.s32 v12, $0x10;
	v10 =	vand.u32 $0xFFFF, v10;
	v53 =	vshra.s32 v9, $0x10  }
0x1c1: {  	v17 =	vld [tilespmem:s19+$0xFFFFFE60];
	v12 =	vand.u32 $0xFFFF, v12;
	v54 =	vshra.s32 v50, $0x10;
	vm3 =	veq.s32 v16, v2  }
0x1c2: {  	v52 =	vld [tilespmem:s19+$0xFFFFFE70];
	v9 =	vand.u32 $0xFFFF, v9;
	v58 =	vshra.s32 v4, $0x10;
	vm4 =	veq.s32 v18, v2  }
0x1c3: {  	v60 =	vshra.s32 v19, $0x10;
	v61 =	vshra.s32 v3, $0x10;
	vm5 =	veq.s32 v53, v2;
	[tilespmem:v6+s16+$0x0] =	vst.idx.add.s32.msk vm0, v1  }
0x1c4: {  	v4 =	vand.u32 $0xFFFF, v4;
	v11 =	vand.u32 $0xFFFF, v50;
	vm14 =	veq.s32 v58, v2;
	[tilespmem:v7+s16+$0x0] =	vst.idx.add.s32.msk vm1, v1  }
0x1c5: {  	vm0 =	veq.s32 v54, v2;
	v6 =	vshra.s32 v51, $0x10;
	v7 =	vshra.s32 v14, $0x10;
	[tilespmem:v8+s16+$0x0] =	vst.idx.add.s32.msk vm2, v1  }
0x1c6: {  	vm1 =	veq.s32 v6, v2;
	vm2 =	veq.s32 v7, v2;
	v6 =	vld [tilespmem:s19+$0xFFFFFE10];
	v7 =	vshra.s32 v17, $0x10  }
0x1c7: {  	vm15 =	veq.s32 v60, v2;
	[tilespmem:v10+s16+$0x0] =	vst.idx.add.s32.msk vm3, v1;
	vm6 =	veq.s32 v7, v2;
	v7 =	vand.u32 $0xFFFF, v14  }
0x1c8: {  	v56 =	vshra.s32 v52, $0x10;
	v62 =	vand.u32 $0xFFFF, v19;
	vm7 =	veq.s32 v61, v2;
	[tilespmem:v12+s16+$0x0] =	vst.idx.add.s32.msk vm4, v1  }
0x1c9: {  	v63 =	vand.u32 $0xFFFF, v3;
	vm3 =	veq.s32 v56, v2;
	[tilespmem:v9+s16+$0x0] =	vst.idx.add.s32.msk vm5, v1  }
0x1ca: {  	v59 =	vand.u32 $0xFFFF, v52;
	v3 =	vshra.s32 v5, $0x10;
	[tilespmem:v4+s16+$0x0] =	vst.idx.add.s32.msk vm14, v1  }
0x1cb: {  	v55 =	vand.u32 $0xFFFF, v51;
	[tilespmem:v11+s16+$0x0] =	vst.idx.add.s32.msk vm0, v1;
	vm0 =	veq.s32 v3, v2;
	v3 =	vshra.s32 v6, $0x10  }
0x1cc: {  	v57 =	vand.u32 $0xFFFF, v17;
	[tilespmem:v7+s16+$0x0] =	vst.idx.add.s32.msk vm2, v1;
	vm2 =	veq.s32 v3, v2  }
0x1cd: {  	[tilespmem:v62+s16+$0x0] =	vst.idx.add.s32.msk vm15, v1;
	v4 =	vand.u32 $0xFFFF, v6  }
0x1ce: {  	[tilespmem:v63+s16+$0x0] =	vst.idx.add.s32.msk vm7, v1;
	v3 =	vand.u32 $0xFFFF, v5  }
0x1cf: {  	[tilespmem:v59+s16+$0x0] =	vst.idx.add.s32.msk vm3, v1  }
0x1d0: {  	[tilespmem:v55+s16+$0x0] =	vst.idx.add.s32.msk vm1, v1  }
0x1d1: {  	s21 =	simm.s32 $0x0;
	[tilespmem:v57+s16+$0x0] =	vst.idx.add.s32.msk vm6, v1  }
.LBB2_17:
0x1d2: {  	s21 =	sadd.s32 $0x100, s21;
	[tilespmem:v4+s16+$0x0] =	vst.idx.add.s32.msk vm2, v1;
	s19 =	sadd.s32 $0x400, s19;
	s20 =	simm.s32 $0x4400  }
0x1d3: {  	p0 =	slt.u32 s21, $0xF00;
	[tilespmem:v3+s16+$0x0] =	vst.idx.add.s32.msk vm0, v1  }
0x1d4: {  	v3 =	vld [tilespmem:s19+$0xFFFFFE20]  }
0x1d5: {  	v5 =	vld [tilespmem:s19+$0xFFFFFE30]  }
0x1d6: {  	v4 =	vld [tilespmem:s19+$0xFFFFFE40]  }
0x1d7: {  	v6 =	vld [tilespmem:s19+$0xFFFFFE00]  }
0x1d8: {  	v7 =	vld [tilespmem:s19+$0x70]  }
0x1d9: {  	v8 =	vld [tilespmem:s19+$0x60]  }
0x1da: {  	v9 =	vld [tilespmem:s19+$0x50]  }
0x1db: {  	v10 =	vld [tilespmem:s19+$0x40]  }
0x1dc: {  	v11 =	vshra.s32 v6, $0x10;
	v12 =	vld [tilespmem:s19+$0x30]  }
0x1dd: {  	vm1 =	veq.s32 v11, v2;
	v11 =	vld [tilespmem:s19+$0x20];
	v13 =	vshra.s32 v7, $0x10  }
0x1de: {  	v6 =	vand.u32 $0xFFFF, v6;
	v14 =	vld [tilespmem:s19+$0x10];
	v15 =	vshra.s32 v8, $0x10;
	vm3 =	veq.s32 v13, v2  }
0x1df: {  	v7 =	vand.u32 $0xFFFF, v7;
	v8 =	vand.u32 $0xFFFF, v8;
	v13 =	vld [tilespmem:s19+$0x0];
	vm4 =	veq.s32 v15, v2  }
0x1e0: {  	v17 =	vshra.s32 v9, $0x10;
	v15 =	vld [tilespmem:s19+$0xFFFFFE70];
	v16 =	vshra.s32 v10, $0x10;
	v10 =	vand.u32 $0xFFFF, v10  }
0x1e1: {  	v18 =	vld [tilespmem:s19+$0xFFFFFE60];
	v19 =	vshra.s32 v12, $0x10;
	v12 =	vand.u32 $0xFFFF, v12;
	vm5 =	veq.s32 v16, v2  }
0x1e2: {  	vm0 =	veq.s32 v17, v2;
	v16 =	vld [tilespmem:s19+$0xFFFFFE50];
	v20 =	vshra.s32 v11, $0x10;
	vm6 =	veq.s32 v19, v2  }
0x1e3: {  	v11 =	vand.u32 $0xFFFF, v11;
	[tilespmem:v6+s16+$0x0] =	vst.idx.add.s32.msk vm1, v1;
	v6 =	vshra.s32 v14, $0x10;
	vm2 =	veq.s32 v20, v2  }
0x1e4: {  	v17 =	vshra.s32 v13, $0x10;
	vm1 =	veq.s32 v6, v2;
	v6 =	vand.u32 $0xFFFF, v9;
	[tilespmem:v7+s16+$0x0] =	vst.idx.add.s32.msk vm3, v1  }
0x1e5: {  	v7 =	vshra.s32 v15, $0x10;
	v9 =	vand.u32 $0xFFFF, v15;
	vm3 =	veq.s32 v17, v2;
	[tilespmem:v8+s16+$0x0] =	vst.idx.add.s32.msk vm4, v1  }
0x1e6: {  	v13 =	vand.u32 $0xFFFF, v13;
	v8 =	vld [tilespmem:s19+$0xFFFFFE10];
	v15 =	vshra.s32 v18, $0x10;
	v17 =	vand.u32 $0xFFFF, v18  }
0x1e7: {  	v14 =	vand.u32 $0xFFFF, v14;
	v18 =	vand.u32 $0xFFFF, v16;
	vm4 =	veq.s32 v15, v2;
	[tilespmem:v10+s16+$0x0] =	vst.idx.add.s32.msk vm5, v1  }
0x1e8: {  	v10 =	vshra.s32 v4, $0x10;
	v15 =	vshra.s32 v16, $0x10;
	vm5 =	veq.s32 v7, v2;
	[tilespmem:v12+s16+$0x0] =	vst.idx.add.s32.msk vm6, v1  }
0x1e9: {  	v7 =	vshra.s32 v5, $0x10;
	vm6 =	veq.s32 v10, v2;
	vm7 =	veq.s32 v15, v2;
	[tilespmem:v6+s16+$0x0] =	vst.idx.add.s32.msk vm0, v1  }
0x1ea: {  	v6 =	vshra.s32 v3, $0x10;
	vm0 =	veq.s32 v7, v2;
	v7 =	vand.u32 $0xFFFF, v4;
	[tilespmem:v11+s16+$0x0] =	vst.idx.add.s32.msk vm2, v1  }
0x1eb: {  	vm8 =	veq.s32 v6, v2;
	v4 =	vshra.s32 v8, $0x10;
	[tilespmem:v13+s16+$0x0] =	vst.idx.add.s32.msk vm3, v1  }
0x1ec: {  	v6 =	vand.u32 $0xFFFF, v3;
	vm2 =	veq.s32 v4, v2;
	[tilespmem:v14+s16+$0x0] =	vst.idx.add.s32.msk vm1, v1  }
.Ltmp7:
0x1ed: {  	v3 =	vand.u32 $0xFFFF, v5;
	v4 =	vand.u32 $0xFFFF, v8;
	[tilespmem:v17+s16+$0x0] =	vst.idx.add.s32.msk vm4, v1;
	(pc) =	sbr.rel @p0 .LBB2_17-.Ltmp7, $4  }
0x1ee: {  	[tilespmem:v9+s16+$0x0] =	vst.idx.add.s32.msk vm5, v1  }
0x1ef: {  	[tilespmem:v7+s16+$0x0] =	vst.idx.add.s32.msk vm6, v1  }
0x1f0: {  	[tilespmem:v18+s16+$0x0] =	vst.idx.add.s32.msk vm7, v1  }
0x1f1: {  	[tilespmem:v6+s16+$0x0] =	vst.idx.add.s32.msk vm8, v1  }
0x1f2: {  	_ =	sdelay $0x4  }
0x1f3: {  	[tilespmem:v4+s16+$0x0] =	vst.idx.add.s32.msk vm2, v1  }
0x1f4: {  	[tilespmem:v3+s16+$0x0] =	vst.idx.add.s32.msk vm0, v1  }
0x1f5: {  	v3 =	vld [tilespmem:s20+$0xFFFFFE50]  }
0x1f6: {  	v4 =	vld [tilespmem:s20+$0xFFFFFE00]  }
0x1f7: {  	v5 =	vld [tilespmem:s20+$0xFFFFFE30]  }
0x1f8: {  	v6 =	vld [tilespmem:s20+$0x70]  }
0x1f9: {  	v7 =	vld [tilespmem:s20+$0x60]  }
0x1fa: {  	v8 =	vld [tilespmem:s20+$0x50]  }
0x1fb: {  	v10 =	vld [tilespmem:s20+$0x40];
	v9 =	vshra.s32 v4, $0x10  }
0x1fc: {  	v50 =	vld [tilespmem:s20+$0x30];
	vm0 =	veq.s32 v9, v2  }
0x1fd: {  	v11 =	vld [tilespmem:s20+$0x20];
	v4 =	vand.u32 $0xFFFF, v4  }
0x1fe: {  	v51 =	vld [tilespmem:s20+$0x0];
	v12 =	vshra.s32 v6, $0x10  }
0x1ff: {  	v14 =	vld [tilespmem:s20+$0xFFFFFE70];
	v52 =	vshra.s32 v8, $0x10;
	vm1 =	veq.s32 v12, v2  }
0x200: {  	v53 =	vld [tilespmem:s20+$0xFFFFFE40];
	v6 =	vand.u32 $0xFFFF, v6;
	v15 =	vshra.s32 v10, $0x10;
	vm3 =	veq.s32 v52, v2  }
0x201: {  	v13 =	vld [tilespmem:s20+$0x10];
	v8 =	vand.u32 $0xFFFF, v8;
	vm2 =	veq.s32 v15, v2  }
0x202: {  	v54 =	vshra.s32 v11, $0x10;
	[tilespmem:v4+s16+$0x0] =	vst.idx.add.s32.msk vm0, v1;
	v4 =	vand.u32 $0xFFFF, v10  }
0x203: {  	v16 =	vld [tilespmem:s20+$0xFFFFFE60];
	v17 =	vshra.s32 v50, $0x10;
	v55 =	vshra.s32 v51, $0x10;
	vm4 =	veq.s32 v54, v2  }
0x204: {  	v56 =	vld [tilespmem:s20+$0xFFFFFE20];
	v11 =	vand.u32 $0xFFFF, v11;
	v57 =	vshra.s32 v14, $0x10;
	vm0 =	veq.s32 v17, v2  }
0x205: {  	v59 =	vshra.s32 v53, $0x10;
	v9 =	vand.u32 $0xFFFF, v50;
	[tilespmem:v6+s16+$0x0] =	vst.idx.add.s32.msk vm1, v1;
	vm1 =	veq.s32 v55, v2  }
0x206: {  	v61 =	vshra.s32 v3, $0x10;
	v12 =	vand.u32 $0xFFFF, v51;
	vm6 =	veq.s32 v57, v2;
	[tilespmem:v8+s16+$0x0] =	vst.idx.add.s32.msk vm3, v1  }
0x207: {  	vm7 =	veq.s32 v59, v2;
	v6 =	vshra.s32 v7, $0x10;
	[tilespmem:v4+s16+$0x0] =	vst.idx.add.s32.msk vm2, v1;
	v4 =	vand.u32 $0xFFFF, v14  }
0x208: {  	v62 =	vand.u32 $0xFFFF, v53;
	vm8 =	veq.s32 v61, v2;
	vm5 =	veq.s32 v6, v2;
	v6 =	vld [tilespmem:s20+$0xFFFFFE10]  }
0x209: {  	v18 =	vshra.s32 v13, $0x10;
	v63 =	vand.u32 $0xFFFF, v3;
	[tilespmem:v11+s16+$0x0] =	vst.idx.add.s32.msk vm4, v1  }
0x20a: {  	v58 =	vshra.s32 v16, $0x10;
	v7 =	vand.u32 $0xFFFF, v7;
	vm2 =	veq.s32 v18, v2;
	[tilespmem:v9+s16+$0x0] =	vst.idx.add.s32.msk vm0, v1  }
0x20b: {  	v13 =	vand.u32 $0xFFFF, v13;
	v3 =	vshra.s32 v5, $0x10;
	vm0 =	veq.s32 v58, v2;
	[tilespmem:v12+s16+$0x0] =	vst.idx.add.s32.msk vm1, v1  }
0x20c: {  	v60 =	vand.u32 $0xFFFF, v16;
	vm1 =	veq.s32 v3, v2;
	[tilespmem:v4+s16+$0x0] =	vst.idx.add.s32.msk vm6, v1;
	v4 =	vshra.s32 v56, $0x10  }
0x20d: {  	v5 =	vand.u32 $0xFFFF, v5;
	[tilespmem:v62+s16+$0x0] =	vst.idx.add.s32.msk vm7, v1;
	v3 =	vshra.s32 v6, $0x10;
	vm3 =	veq.s32 v4, v2  }
0x20e: {  	[tilespmem:v63+s16+$0x0] =	vst.idx.add.s32.msk vm8, v1;
	vm4 =	veq.s32 v3, v2;
	v3 =	vand.u32 $0xFFFF, v56  }
0x20f: {  	[tilespmem:v7+s16+$0x0] =	vst.idx.add.s32.msk vm5, v1;
	v4 =	vand.u32 $0xFFFF, v6  }
0x210: {  	[tilespmem:v13+s16+$0x0] =	vst.idx.add.s32.msk vm2, v1  }
0x211: {  	s19 =	simm.s32 $0x0;
	[tilespmem:v60+s16+$0x0] =	vst.idx.add.s32.msk vm0, v1  }
.LBB2_19:
0x212: {  	s19 =	sadd.s32 $0x100, s19;
	[tilespmem:v5+s16+$0x0] =	vst.idx.add.s32.msk vm1, v1;
	s20 =	sadd.s32 $0x400, s20  }
0x213: {  	p0 =	slt.u32 s19, $0xF00;
	[tilespmem:v3+s16+$0x0] =	vst.idx.add.s32.msk vm3, v1  }
0x214: {  	[tilespmem:v4+s16+$0x0] =	vst.idx.add.s32.msk vm4, v1  }
0x215: {  	v3 =	vld [tilespmem:s20+$0xFFFFFE50]  }
0x216: {  	v4 =	vld [tilespmem:s20+$0xFFFFFE00]  }
0x217: {  	v5 =	vld [tilespmem:s20+$0xFFFFFE30]  }
0x218: {  	v6 =	vld [tilespmem:s20+$0x70]  }
0x219: {  	v7 =	vld [tilespmem:s20+$0x60]  }
0x21a: {  	v8 =	vld [tilespmem:s20+$0x50]  }
0x21b: {  	v9 =	vshra.s32 v4, $0x10;
	v10 =	vld [tilespmem:s20+$0x40]  }
0x21c: {  	vm2 =	veq.s32 v9, v2;
	v9 =	vld [tilespmem:s20+$0x30]  }
0x21d: {  	v4 =	vand.u32 $0xFFFF, v4;
	v11 =	vld [tilespmem:s20+$0x20];
	v12 =	vshra.s32 v6, $0x10  }
0x21e: {  	v13 =	vld [tilespmem:s20+$0x10];
	v14 =	vshra.s32 v7, $0x10;
	vm3 =	veq.s32 v12, v2  }
0x21f: {  	v6 =	vand.u32 $0xFFFF, v6;
	v12 =	vld [tilespmem:s20+$0x0];
	v15 =	vshra.s32 v8, $0x10  }
0x220: {  	v7 =	vand.u32 $0xFFFF, v7;
	vm0 =	veq.s32 v14, v2;
	v16 =	vld [tilespmem:s20+$0xFFFFFE70];
	v17 =	vshra.s32 v10, $0x10  }
0x221: {  	vm1 =	veq.s32 v15, v2;
	v14 =	vld [tilespmem:s20+$0xFFFFFE60];
	v18 =	vshra.s32 v9, $0x10;
	vm4 =	veq.s32 v17, v2  }
0x222: {  	v10 =	vand.u32 $0xFFFF, v10;
	[tilespmem:v4+s16+$0x0] =	vst.idx.add.s32.msk vm2, v1;
	v4 =	vand.u32 $0xFFFF, v11;
	vm5 =	veq.s32 v18, v2  }
0x223: {  	v9 =	vand.u32 $0xFFFF, v9;
	v11 =	vshra.s32 v11, $0x10;
	v15 =	vld [tilespmem:s20+$0xFFFFFE40];
	v17 =	vshra.s32 v13, $0x10  }
0x224: {  	v8 =	vand.u32 $0xFFFF, v8;
	vm6 =	veq.s32 v11, v2;
	v18 =	vshra.s32 v12, $0x10;
	[tilespmem:v6+s16+$0x0] =	vst.idx.add.s32.msk vm3, v1  }
0x225: {  	vm2 =	veq.s32 v17, v2;
	v6 =	vld [tilespmem:s20+$0xFFFFFE20];
	v11 =	vand.u32 $0xFFFF, v16;
	vm7 =	veq.s32 v18, v2  }
0x226: {  	v12 =	vand.u32 $0xFFFF, v12;
	v16 =	vshra.s32 v16, $0x10;
	v17 =	vld [tilespmem:s20+$0xFFFFFE10];
	v18 =	vand.u32 $0xFFFF, v14  }
0x227: {  	v19 =	vand.u32 $0xFFFF, v3;
	v14 =	vshra.s32 v14, $0x10;
	vm8 =	veq.s32 v16, v2;
	[tilespmem:v10+s16+$0x0] =	vst.idx.add.s32.msk vm4, v1  }
0x228: {  	v3 =	vshra.s32 v3, $0x10;
	v13 =	vand.u32 $0xFFFF, v13;
	v10 =	vshra.s32 v15, $0x10;
	[tilespmem:v9+s16+$0x0] =	vst.idx.add.s32.msk vm5, v1  }
0x229: {  	vm9 =	veq.s32 v14, v2;
	v9 =	vshra.s32 v5, $0x10;
	vm5 =	veq.s32 v10, v2;
	[tilespmem:v8+s16+$0x0] =	vst.idx.add.s32.msk vm1, v1  }
0x22a: {  	vm1 =	veq.s32 v9, v2;
	v9 =	vand.u32 $0xFFFF, v15;
	v8 =	vshra.s32 v6, $0x10;
	[tilespmem:v4+s16+$0x0] =	vst.idx.add.s32.msk vm6, v1  }
0x22b: {  	vm6 =	veq.s32 v3, v2;
	v4 =	vshra.s32 v17, $0x10;
	vm3 =	veq.s32 v8, v2;
	[tilespmem:v12+s16+$0x0] =	vst.idx.add.s32.msk vm7, v1  }
0x22c: {  	v5 =	vand.u32 $0xFFFF, v5;
	v3 =	vand.u32 $0xFFFF, v6;
	vm4 =	veq.s32 v4, v2;
	[tilespmem:v7+s16+$0x0] =	vst.idx.add.s32.msk vm0, v1  }
.Ltmp8:
0x22d: {  	v4 =	vand.u32 $0xFFFF, v17;
	[tilespmem:v11+s16+$0x0] =	vst.idx.add.s32.msk vm8, v1;
	(pc) =	sbr.rel @p0 .LBB2_19-.Ltmp8, $4  }
0x22e: {  	[tilespmem:v13+s16+$0x0] =	vst.idx.add.s32.msk vm2, v1  }
0x22f: {  	[tilespmem:v18+s16+$0x0] =	vst.idx.add.s32.msk vm9, v1  }
0x230: {  	[tilespmem:v9+s16+$0x0] =	vst.idx.add.s32.msk vm5, v1  }
0x231: {  	[tilespmem:v19+s16+$0x0] =	vst.idx.add.s32.msk vm6, v1  }
0x232: {  	_ = 	snop  }
0x233: {  	s18 =	sadd.s32 $0x1, s18  }
0x234: {  	p0 =	sne.s32 s18, $0x10  }
.Ltmp9:
0x235: {  	_ = 	snop;
	(pc) =	sbr.rel @p0 .LBB2_4-.Ltmp9, $4  }
0x236: {  	_ = 	snop  }
0x237: {  	[tilespmem:v5+s16+$0x0] =	vst.idx.add.s32.msk vm1, v1  }
0x238: {  	[tilespmem:v3+s16+$0x0] =	vst.idx.add.s32.msk vm3, v1  }
0x239: {  	[tilespmem:v4+s16+$0x0] =	vst.idx.add.s32.msk vm4, v1  }
0x23a: {  	s2 =	sadd.s32 $0x1, s2  }
0x23b: {  	p0 =	sne.s32 s2, s9  }
.Ltmp10:
0x23c: {  	_ = 	snop;
	(pc) =	sbr.rel @p0 .LBB2_1-.Ltmp10, $4  }
0x23d: {  	[hbm4b:s8+s13] =	stream.strided.scatter [tilespmem:s16], [sflag:$0x3], $0x10000, s12, s13, $0x38;
	[tilespmem:$0x18080] =	vst v63  }
0x23e: {  	_ =	swait.ge [sflag:s10], $0x10000  }
0x23f: {  	[sflag:s10] =	ssyncset.done $0x0  }
0x240: {  	[sflag:s10] =	ssyncadd.s32 $0xFFFF0000  }
0x241: {  	_ =	sfence.sel $0x180000  }
0x242: {  	[bflag:$0x0] =	sbarrier.arrive $0xFFFF  }
0x243: {  	p0 =	sne.s32 s0, $0x0;
	_ =	strace $0x9000004A  }
0x244: {  	s0 =	sadd.s32 @!p0 $0x100000, s1;
	[bflag:$0x2] =	sbarrier.arrive $0xFFFF  }
0x245: {  	[sflag:s0] =	ssyncadd.tile.s32 @!p0 $0x1;
	_ =	shalt  }
.Lfunc_end2:
_tile_overlayer_lowered:
.L_overlay_start_2:
0x246: {  	(tag) =	ssettag $0x2  }
0x247: {  	s0 =	rddreg [dreg:$0x0];
	s2 =	stileid.u32  }
0x248: {  	s1 =	rddreg [dreg:$0x1];
	p0 =	sne.s32 s2, $0x0  }
0x249: {  	s3 =	rddreg [dreg:$0x2];
	[bflag:$0x3] =	sbarrier.arrive $0xFFFF;
	s2 =	simm.s32 @!p0 $0x1C03  }
0x24a: {  	[timem:s3], [sflag:s2] =	dma.local @!p0 [hbm:s0], s1  }
0x24b: {  	s0 =	simm.s32 @!p0 $0x3  }
0x24c: {  	_ =	swait.ge @!p0 [sflag:s0], s1  }
0x24d: {  	s1 =	ssub.s32 @!p0 $0x0, s1;
	[sflag:s0] =	ssyncset.done @!p0 $0x0  }
0x24e: {  	[sflag:s0] =	ssyncadd.s32 @!p0 s1  }
0x24f: {  	[bflag:$0x3] =	sbarrier.arrive $0xFFFF  }
0x250: {  	_ =	shalt  }

</sc_bundles>
